<compile_context>
chip_gen: v7x
topology: tpu7x:2x2x1
jax: 0.10.2.dev20260603
libtpu: 0.0.44.dev20260713+nightly
codegen_flags: <defaults>
</compile_context>

<pallas_src>
import functools

import jax
import jax.numpy as jnp
from jax import lax
from jax.experimental import pallas as pl
from jax.experimental.pallas import tpu as pltpu
from jax.experimental.pallas import tpu_sc as plsc

EPS = 1e-5
NW = 32


def _sc_gather(x, emb_table, lin_table):
    batch, nf = x.shape
    n = batch * nf
    npair = nf // 2
    nrow = npair * batch
    per_w = nrow // NW
    ch = 832
    n_ch = per_w // ch
    per_wl = n // NW
    idx_e = jnp.transpose(x[:, 0::2]).reshape(-1)
    idx_o = jnp.transpose(x[:, 1::2]).reshape(-1)
    lin2 = lin_table.reshape(-1)
    mesh = plsc.VectorSubcoreMesh(core_axis_name="c", subcore_axis_name="s")

    @functools.partial(
        pl.kernel,
        mesh=mesh,
        compiler_params=pltpu.CompilerParams(use_tc_tiling_on_sc=False),
        out_type=[
            jax.ShapeDtypeStruct((nrow, 128), jnp.float32),
            jax.ShapeDtypeStruct((n,), jnp.float32),
        ],
        scratch_types=[
            pltpu.VMEM((per_w,), jnp.int32),
            pltpu.VMEM((per_w,), jnp.int32),
            pltpu.VMEM((ch, 64), jnp.float32),
            pltpu.VMEM((ch, 64), jnp.float32),
            pltpu.VMEM((per_wl,), jnp.int32),
            pltpu.VMEM((per_wl,), jnp.float32),
            pltpu.SemaphoreType.DMA,
            pltpu.SemaphoreType.DMA,
        ],
    )
    def k(xe_hbm, xo_hbm, xl_hbm, emb_hbm, lin_hbm, emb_out, lin_out,
          ie_v, io_v, re_v, ro_v, il_v, lin_v, sem, lsem):
        wid = lax.axis_index("s") * 2 + lax.axis_index("c")
        base = wid * per_w
        pltpu.sync_copy(xe_hbm.at[pl.ds(base, per_w)], ie_v)
        pltpu.sync_copy(xo_hbm.at[pl.ds(base, per_w)], io_v)
        lbase = wid * per_wl
        pltpu.sync_copy(xl_hbm.at[pl.ds(lbase, per_wl)], il_v)
        lin_dma = pltpu.async_copy(lin_hbm.at[il_v], lin_v, lsem)

        for i in range(n_ch):
            de = pltpu.async_copy(
                emb_hbm.at[ie_v.at[pl.ds(i * ch, ch)]], re_v, sem)
            do = pltpu.async_copy(
                emb_hbm.at[io_v.at[pl.ds(i * ch, ch)]], ro_v, sem)
            de.wait()
            do.wait()
            pltpu.sync_copy(
                re_v, emb_out.at[pl.ds(base + i * ch, ch), pl.ds(0, 64)])
            pltpu.sync_copy(
                ro_v, emb_out.at[pl.ds(base + i * ch, ch), pl.ds(64, 64)])

        lin_dma.wait()
        pltpu.sync_copy(lin_v, lin_out.at[pl.ds(lbase, per_wl)])

    return k(idx_e, idx_o, x.reshape(-1), emb_table, lin2)


def _fm_l1_body(e_ref, lin_ref, w1_ref, b1_ref, s2_ref, h1_ref, fm_ref):
    ng = e_ref.shape[0]
    h = b1_ref[...]
    s = jnp.zeros_like(e_ref[0, :, :64])
    q = jnp.zeros((e_ref.shape[1], 1), jnp.float32)
    for g in range(ng):
        e_g = e_ref[g]
        h = h + jnp.dot(e_g, w1_ref[g], preferred_element_type=jnp.float32)
        s = s + jnp.dot(e_g, s2_ref[...], preferred_element_type=jnp.float32)
        q = q + jnp.sum(e_g * e_g, axis=1, keepdims=True)
    h1_ref[...] = h
    fm1 = jnp.sum(lin_ref[...], axis=1, keepdims=True)
    fm_ref[...] = fm1 + 0.5 * (jnp.sum(s * s, axis=1, keepdims=True) - q)


def _bn(h, g, be):
    mean = jnp.mean(h, axis=0, keepdims=True)
    var = jnp.mean((h - mean) ** 2, axis=0, keepdims=True)
    return (h - mean) * lax.rsqrt(var + EPS) * g + be


def _head_body(h1_ref, fm_ref, w2_ref, b2_ref, w3_ref, b3_ref, w4_ref, b4_ref,
               g1_ref, be1_ref, g2_ref, be2_ref, g3_ref, be3_ref, out_ref):
    h = _bn(h1_ref[...], g1_ref[...], be1_ref[...])
    h = jnp.maximum(h, 0.0)
    h = jnp.dot(h, w2_ref[...], preferred_element_type=jnp.float32) + b2_ref[...]
    h = _bn(h, g2_ref[...], be2_ref[...])
    h = jnp.maximum(h, 0.0)
    h = jnp.dot(h, w3_ref[...], preferred_element_type=jnp.float32) + b3_ref[...]
    h = _bn(h, g3_ref[...], be3_ref[...])
    h = jnp.maximum(h, 0.0)
    deep = jnp.dot(h, w4_ref[...], preferred_element_type=jnp.float32) + b4_ref[...]
    out_ref[...] = jax.nn.sigmoid(fm_ref[...] + deep)


def kernel(x, emb_table, lin_table, W1, b1, W2, b2, W3, b3, W4, b4,
           g1, be1, g2, be2, g3, be3):
    batch, nf = x.shape
    d = emb_table.shape[1]
    npair = nf // 2
    h1_dim = W1.shape[1]

    e13, lin_rows = _sc_gather(x, emb_table, lin_table)
    lin = lin_rows.reshape(batch, nf)

    eye = jnp.eye(d, dtype=jnp.float32)
    s2_mat = jnp.concatenate([eye, eye], axis=0)
    w1_k = W1.reshape(npair, 2 * d, h1_dim)

    bb = 512
    grid_i = batch // bb
    e3 = e13.reshape(npair, batch, 128)
    h1, fm = pl.pallas_call(
        _fm_l1_body,
        grid=(grid_i,),
        in_specs=[
            pl.BlockSpec((npair, bb, 128), lambda i: (0, i, 0)),
            pl.BlockSpec((bb, nf), lambda i: (i, 0)),
            pl.BlockSpec((npair, 2 * d, h1_dim), lambda i: (0, 0, 0)),
            pl.BlockSpec((1, h1_dim), lambda i: (0, 0)),
            pl.BlockSpec((2 * d, d), lambda i: (0, 0)),
        ],
        out_specs=[
            pl.BlockSpec((bb, h1_dim), lambda i: (i, 0)),
            pl.BlockSpec((bb, 1), lambda i: (i, 0)),
        ],
        out_shape=[
            jax.ShapeDtypeStruct((batch, h1_dim), jnp.float32),
            jax.ShapeDtypeStruct((batch, 1), jnp.float32),
        ],
    )(e3, lin, w1_k, b1.reshape(1, -1), s2_mat)

    row = lambda v: v.reshape(1, -1)
    out = pl.pallas_call(
        _head_body,
        out_shape=jax.ShapeDtypeStruct((batch, 1), jnp.float32),
    )(h1, fm, W2, row(b2), W3, row(b3), W4, row(b4),
      row(g1), row(be1), row(g2), row(be2), row(g3), row(be3))
    return out

# --- scband reference (transcript-rebuilt; emitter-appended) ---
"""Pipeline reference for scband-deep-fm-87514253623849 (READ-ONLY COPY).

The authoritative reference and input builder live on the scoring server;
editing this copy changes nothing except your own understanding.
"""

import jax, jax.numpy as jnp
import numpy as np

NUM_FEATURES = 1000000
NUM_FIELDS = 26
EMBED_DIM = 64
HIDDEN = [512, 256, 128]
BATCH = 4096
EPS = 1e-5


def setup_inputs(seed: int = 0) -> dict:
    key = jax.random.key(seed)
    ks = jax.random.split(key, 20)
    x = jax.random.randint(ks[0], (BATCH, NUM_FIELDS), 0, NUM_FEATURES, dtype=jnp.int64 if jax.config.jax_enable_x64 else jnp.int32).astype(jnp.int32)
    # xavier-uniform embedding table
    limit = float(np.sqrt(6.0 / (NUM_FEATURES + EMBED_DIM)))
    emb_table = jax.random.uniform(ks[1], (NUM_FEATURES, EMBED_DIM), minval=-limit, maxval=limit, dtype=jnp.float32)
    lin_table = jax.random.normal(ks[2], (NUM_FEATURES, 1), dtype=jnp.float32) * 0.01
    dims = [NUM_FIELDS * EMBED_DIM] + HIDDEN + [1]
    params = {}
    ki = 3
    for i in range(len(dims) - 1):
        fan_in = dims[i]
        bound = float(1.0 / np.sqrt(fan_in))
        params[f"W{i+1}"] = jax.random.uniform(ks[ki], (dims[i], dims[i + 1]), minval=-bound, maxval=bound, dtype=jnp.float32); ki += 1
        params[f"b{i+1}"] = jax.random.uniform(ks[ki], (dims[i + 1],), minval=-bound, maxval=bound, dtype=jnp.float32); ki += 1
    for i, h in enumerate(HIDDEN):
        params[f"g{i+1}"] = jnp.ones((h,), dtype=jnp.float32)
        params[f"be{i+1}"] = jnp.zeros((h,), dtype=jnp.float32)
    out = {"x": x, "emb_table": emb_table, "lin_table": lin_table}
    out.update(params)
    return out


def _batchnorm(h, g, be):
    mean = jnp.mean(h, axis=0, keepdims=True)
    var = jnp.mean((h - mean) ** 2, axis=0, keepdims=True)
    return (h - mean) / jnp.sqrt(var + EPS) * g + be


def reference(x, emb_table, lin_table, W1, b1, W2, b2, W3, b3, W4, b4, g1, be1, g2, be2, g3, be3):
    embeddings = jnp.take(emb_table, x, axis=0)          # [B, F, D]
    linear_part = jnp.take(lin_table, x, axis=0)         # [B, F, 1]
    fm_first_order = jnp.sum(linear_part, axis=1)        # [B, 1]
    sum_of_square = jnp.sum(embeddings, axis=1) ** 2     # [B, D]
    square_of_sum = jnp.sum(embeddings ** 2, axis=1)     # [B, D]
    fm_second_order = 0.5 * jnp.sum(sum_of_square - square_of_sum, axis=1, keepdims=True)
    h = embeddings.reshape(x.shape[0], -1)
    h = _batchnorm(h @ W1 + b1, g1, be1); h = jax.nn.relu(h)
    h = _batchnorm(h @ W2 + b2, g2, be2); h = jax.nn.relu(h)
    h = _batchnorm(h @ W3 + b3, g3, be3); h = jax.nn.relu(h)
    deep_output = h @ W4 + b4
    output = fm_first_order + fm_second_order + deep_output
    return jax.nn.sigmoid(output)

if __name__ == "__main__":
    import jax
    _d = setup_inputs()
    print(jax.jit(kernel)(*tuple(_d.values())))

</pallas_src>

<mosaic_0001>
#map = affine_map<(d0, d1) -> (0)>
#map1 = affine_map<(d0, d1) -> (0, 0)>
module attributes {stable_mosaic.version = 14 : i64} {
  func.func @k(%arg0: i32, %arg1: i32, %arg2: memref<53248xi32, #tpu.memory_space<hbm>>, %arg3: memref<53248xi32, #tpu.memory_space<hbm>>, %arg4: memref<106496xi32, #tpu.memory_space<hbm>>, %arg5: memref<1000000x64xf32, #tpu.memory_space<hbm>>, %arg6: memref<1000000xf32, #tpu.memory_space<hbm>>, %arg7: memref<53248x128xf32, #tpu.memory_space<hbm>>, %arg8: memref<106496xf32, #tpu.memory_space<hbm>>, %arg9: memref<1664xi32, #tpu.memory_space<vmem>>, %arg10: memref<1664xi32, #tpu.memory_space<vmem>>, %arg11: memref<832x64xf32, #tpu.memory_space<vmem>>, %arg12: memref<832x64xf32, #tpu.memory_space<vmem>>, %arg13: memref<3328xi32, #tpu.memory_space<vmem>>, %arg14: memref<3328xf32, #tpu.memory_space<vmem>>, %arg15: memref<!tpu.dma_semaphore, #tpu.memory_space<semaphore_mem>>, %arg16: memref<!tpu.dma_semaphore, #tpu.memory_space<semaphore_mem>>) attributes {dimension_semantics = [#tpu.dimension_semantics<core_parallel>, #tpu.dimension_semantics<subcore_parallel>], iteration_bounds = array<i64: 2, 16>, scalar_prefetch = 0 : i64, scratch_operands = 8 : i64, tpu.core_type = #tpu.core_type<sc_vector_subcore>, window_params = [{transform_indices = #map}, {transform_indices = #map}, {transform_indices = #map}, {transform_indices = #map1}, {transform_indices = #map}, {transform_indices = #map1}, {transform_indices = #map}]} {
    %mul3A = arith.constant 2 : i32
    %mul3A_0 = arith.muli %arg1, %mul3A : i32
    %add3A = arith.addi %mul3A_0, %arg0 : i32
    %mul3A_1 = arith.constant 1664 : i32
    %mul3A_2 = arith.muli %add3A, %mul3A_1 : i32
    "tpu.region"() ({
      %run_scoped3A = tpu.sem_alloc : memref<!tpu.dma_semaphore, #tpu.memory_space<semaphore_mem>>
      %dma_start3A_55 = tpu.memref_slice %arg2[%mul3A_2] : memref<53248xi32, #tpu.memory_space<hbm>> -> memref<1664xi32, #tpu.memory_space<hbm>>
      %dma_start3A_56 = tpu.memref_slice %arg2[%mul3A_2] : memref<53248xi32, #tpu.memory_space<hbm>> -> memref<1664xi32, #tpu.memory_space<hbm>>
      tpu.enqueue_dma source(%dma_start3A_56 : memref<1664xi32, #tpu.memory_space<hbm>>) target(%arg9 : memref<1664xi32, #tpu.memory_space<vmem>>) target_semaphore(%run_scoped3A : memref<!tpu.dma_semaphore, #tpu.memory_space<semaphore_mem>>)
      %dma_wait3A_57 = tpu.memref_slice %arg2[%mul3A_2] : memref<53248xi32, #tpu.memory_space<hbm>> -> memref<1664xi32, #tpu.memory_space<hbm>>
      %dma_wait3A_58 = tpu.memref_slice %arg2[%mul3A_2] : memref<53248xi32, #tpu.memory_space<hbm>> -> memref<1664xi32, #tpu.memory_space<hbm>>
      tpu.wait_dma2 semaphore(%run_scoped3A : memref<!tpu.dma_semaphore, #tpu.memory_space<semaphore_mem>>) src(%dma_wait3A_58 : memref<1664xi32, #tpu.memory_space<hbm>>) dst(%arg9 : memref<1664xi32, #tpu.memory_space<vmem>>)
      tpu.yield
    }) : () -> ()
    "tpu.region"() ({
      %run_scoped3A = tpu.sem_alloc : memref<!tpu.dma_semaphore, #tpu.memory_space<semaphore_mem>>
      %dma_start3A_55 = tpu.memref_slice %arg3[%mul3A_2] : memref<53248xi32, #tpu.memory_space<hbm>> -> memref<1664xi32, #tpu.memory_space<hbm>>
      %dma_start3A_56 = tpu.memref_slice %arg3[%mul3A_2] : memref<53248xi32, #tpu.memory_space<hbm>> -> memref<1664xi32, #tpu.memory_space<hbm>>
      tpu.enqueue_dma source(%dma_start3A_56 : memref<1664xi32, #tpu.memory_space<hbm>>) target(%arg10 : memref<1664xi32, #tpu.memory_space<vmem>>) target_semaphore(%run_scoped3A : memref<!tpu.dma_semaphore, #tpu.memory_space<semaphore_mem>>)
      %dma_wait3A_57 = tpu.memref_slice %arg3[%mul3A_2] : memref<53248xi32, #tpu.memory_space<hbm>> -> memref<1664xi32, #tpu.memory_space<hbm>>
      %dma_wait3A_58 = tpu.memref_slice %arg3[%mul3A_2] : memref<53248xi32, #tpu.memory_space<hbm>> -> memref<1664xi32, #tpu.memory_space<hbm>>
      tpu.wait_dma2 semaphore(%run_scoped3A : memref<!tpu.dma_semaphore, #tpu.memory_space<semaphore_mem>>) src(%dma_wait3A_58 : memref<1664xi32, #tpu.memory_space<hbm>>) dst(%arg10 : memref<1664xi32, #tpu.memory_space<vmem>>)
      tpu.yield
    }) : () -> ()
    %mul3A_3 = arith.constant 3328 : i32
    %mul3A_4 = arith.muli %add3A, %mul3A_3 : i32
    "tpu.region"() ({
      %run_scoped3A = tpu.sem_alloc : memref<!tpu.dma_semaphore, #tpu.memory_space<semaphore_mem>>
      %dma_start3A_55 = tpu.memref_slice %arg4[%mul3A_4] : memref<106496xi32, #tpu.memory_space<hbm>> -> memref<3328xi32, #tpu.memory_space<hbm>>
      %dma_start3A_56 = tpu.memref_slice %arg4[%mul3A_4] : memref<106496xi32, #tpu.memory_space<hbm>> -> memref<3328xi32, #tpu.memory_space<hbm>>
      tpu.enqueue_dma source(%dma_start3A_56 : memref<3328xi32, #tpu.memory_space<hbm>>) target(%arg13 : memref<3328xi32, #tpu.memory_space<vmem>>) target_semaphore(%run_scoped3A : memref<!tpu.dma_semaphore, #tpu.memory_space<semaphore_mem>>)
      %dma_wait3A_57 = tpu.memref_slice %arg4[%mul3A_4] : memref<106496xi32, #tpu.memory_space<hbm>> -> memref<3328xi32, #tpu.memory_space<hbm>>
      %dma_wait3A_58 = tpu.memref_slice %arg4[%mul3A_4] : memref<106496xi32, #tpu.memory_space<hbm>> -> memref<3328xi32, #tpu.memory_space<hbm>>
      tpu.wait_dma2 semaphore(%run_scoped3A : memref<!tpu.dma_semaphore, #tpu.memory_space<semaphore_mem>>) src(%dma_wait3A_58 : memref<3328xi32, #tpu.memory_space<hbm>>) dst(%arg13 : memref<3328xi32, #tpu.memory_space<vmem>>)
      tpu.yield
    }) : () -> ()
    %dma_start3A = arith.constant 0 : i32
    %dma_start3A_5 = tpu.memref_slice %arg6[%dma_start3A] : memref<1000000xf32, #tpu.memory_space<hbm>> -> memref<1000000xf32, #tpu.memory_space<hbm>>
    tpu.enqueue_indirect_dma source(%dma_start3A_5 : memref<1000000xf32, #tpu.memory_space<hbm>>) target(%arg14 : memref<3328xf32, #tpu.memory_space<vmem>>) offsets(%arg13 : memref<3328xi32, #tpu.memory_space<vmem>>) semaphore(%arg16 : memref<!tpu.dma_semaphore, #tpu.memory_space<semaphore_mem>>)
    %dma_start3A_6 = arith.constant 0 : i32
    %dma_start3A_7 = tpu.memref_slice %arg9[%dma_start3A_6] : memref<1664xi32, #tpu.memory_space<vmem>> -> memref<832xi32, #tpu.memory_space<vmem>>
    %dma_start3A_8 = arith.constant 0 : i32
    %dma_start3A_9 = arith.constant 0 : i32
    %dma_start3A_10 = tpu.memref_slice %arg5[%dma_start3A_8, %dma_start3A_9] : memref<1000000x64xf32, #tpu.memory_space<hbm>> -> memref<1000000x64xf32, #tpu.memory_space<hbm>>
    tpu.enqueue_indirect_dma source(%dma_start3A_10 : memref<1000000x64xf32, #tpu.memory_space<hbm>>) target(%arg11 : memref<832x64xf32, #tpu.memory_space<vmem>>) offsets(%dma_start3A_7 : memref<832xi32, #tpu.memory_space<vmem>>) semaphore(%arg15 : memref<!tpu.dma_semaphore, #tpu.memory_space<semaphore_mem>>)
    %dma_start3A_11 = arith.constant 0 : i32
    %dma_start3A_12 = tpu.memref_slice %arg10[%dma_start3A_11] : memref<1664xi32, #tpu.memory_space<vmem>> -> memref<832xi32, #tpu.memory_space<vmem>>
    %dma_start3A_13 = arith.constant 0 : i32
    %dma_start3A_14 = arith.constant 0 : i32
    %dma_start3A_15 = tpu.memref_slice %arg5[%dma_start3A_13, %dma_start3A_14] : memref<1000000x64xf32, #tpu.memory_space<hbm>> -> memref<1000000x64xf32, #tpu.memory_space<hbm>>
    tpu.enqueue_indirect_dma source(%dma_start3A_15 : memref<1000000x64xf32, #tpu.memory_space<hbm>>) target(%arg12 : memref<832x64xf32, #tpu.memory_space<vmem>>) offsets(%dma_start3A_12 : memref<832xi32, #tpu.memory_space<vmem>>) semaphore(%arg15 : memref<!tpu.dma_semaphore, #tpu.memory_space<semaphore_mem>>)
    %dma_wait3A = arith.constant 0 : i32
    %dma_wait3A_16 = tpu.memref_slice %arg9[%dma_wait3A] : memref<1664xi32, #tpu.memory_space<vmem>> -> memref<832xi32, #tpu.memory_space<vmem>>
    %dma_wait3A_17 = arith.constant 0 : i32
    %dma_wait3A_18 = arith.constant 0 : i32
    %dma_wait3A_19 = tpu.memref_slice %arg5[%dma_wait3A_17, %dma_wait3A_18] : memref<1000000x64xf32, #tpu.memory_space<hbm>> -> memref<1000000x64xf32, #tpu.memory_space<hbm>>
    tpu.wait_indirect_dma semaphore(%arg15 : memref<!tpu.dma_semaphore, #tpu.memory_space<semaphore_mem>>) src(%dma_wait3A_19 : memref<1000000x64xf32, #tpu.memory_space<hbm>>) dst(%arg11 : memref<832x64xf32, #tpu.memory_space<vmem>>)
    %dma_wait3A_20 = arith.constant 0 : i32
    %dma_wait3A_21 = tpu.memref_slice %arg10[%dma_wait3A_20] : memref<1664xi32, #tpu.memory_space<vmem>> -> memref<832xi32, #tpu.memory_space<vmem>>
    %dma_wait3A_22 = arith.constant 0 : i32
    %dma_wait3A_23 = arith.constant 0 : i32
    %dma_wait3A_24 = tpu.memref_slice %arg5[%dma_wait3A_22, %dma_wait3A_23] : memref<1000000x64xf32, #tpu.memory_space<hbm>> -> memref<1000000x64xf32, #tpu.memory_space<hbm>>
    tpu.wait_indirect_dma semaphore(%arg15 : memref<!tpu.dma_semaphore, #tpu.memory_space<semaphore_mem>>) src(%dma_wait3A_24 : memref<1000000x64xf32, #tpu.memory_space<hbm>>) dst(%arg12 : memref<832x64xf32, #tpu.memory_space<vmem>>)
    %add3A_25 = arith.constant 0 : i32
    %add3A_26 = arith.addi %mul3A_2, %add3A_25 : i32
    "tpu.region"() ({
      %run_scoped3A = tpu.sem_alloc : memref<!tpu.dma_semaphore, #tpu.memory_space<semaphore_mem>>
      %dma_start3A_55 = arith.constant 0 : i32
      %dma_start3A_56 = tpu.memref_slice %arg7[%add3A_26, %dma_start3A_55] : memref<53248x128xf32, #tpu.memory_space<hbm>> -> memref<832x64xf32, #tpu.memory_space<hbm>>
      %dma_start3A_57 = arith.constant 0 : i32
      %dma_start3A_58 = tpu.memref_slice %arg7[%add3A_26, %dma_start3A_57] : memref<53248x128xf32, #tpu.memory_space<hbm>> -> memref<832x64xf32, #tpu.memory_space<hbm>>
      tpu.enqueue_dma source(%arg11 : memref<832x64xf32, #tpu.memory_space<vmem>>) target(%dma_start3A_58 : memref<832x64xf32, #tpu.memory_space<hbm>>) target_semaphore(%run_scoped3A : memref<!tpu.dma_semaphore, #tpu.memory_space<semaphore_mem>>)
      %dma_wait3A_59 = arith.constant 0 : i32
      %dma_wait3A_60 = tpu.memref_slice %arg7[%add3A_26, %dma_wait3A_59] : memref<53248x128xf32, #tpu.memory_space<hbm>> -> memref<832x64xf32, #tpu.memory_space<hbm>>
      %dma_wait3A_61 = arith.constant 0 : i32
      %dma_wait3A_62 = tpu.memref_slice %arg7[%add3A_26, %dma_wait3A_61] : memref<53248x128xf32, #tpu.memory_space<hbm>> -> memref<832x64xf32, #tpu.memory_space<hbm>>
      tpu.wait_dma2 semaphore(%run_scoped3A : memref<!tpu.dma_semaphore, #tpu.memory_space<semaphore_mem>>) src(%arg11 : memref<832x64xf32, #tpu.memory_space<vmem>>) dst(%dma_wait3A_62 : memref<832x64xf32, #tpu.memory_space<hbm>>)
      tpu.yield
    }) : () -> ()
    %add3A_27 = arith.constant 0 : i32
    %add3A_28 = arith.addi %mul3A_2, %add3A_27 : i32
    "tpu.region"() ({
      %run_scoped3A = tpu.sem_alloc : memref<!tpu.dma_semaphore, #tpu.memory_space<semaphore_mem>>
      %dma_start3A_55 = arith.constant 64 : i32
      %dma_start3A_56 = tpu.memref_slice %arg7[%add3A_28, %dma_start3A_55] : memref<53248x128xf32, #tpu.memory_space<hbm>> -> memref<832x64xf32, #tpu.memory_space<hbm>>
      %dma_start3A_57 = arith.constant 64 : i32
      %dma_start3A_58 = tpu.memref_slice %arg7[%add3A_28, %dma_start3A_57] : memref<53248x128xf32, #tpu.memory_space<hbm>> -> memref<832x64xf32, #tpu.memory_space<hbm>>
      tpu.enqueue_dma source(%arg12 : memref<832x64xf32, #tpu.memory_space<vmem>>) target(%dma_start3A_58 : memref<832x64xf32, #tpu.memory_space<hbm>>) target_semaphore(%run_scoped3A : memref<!tpu.dma_semaphore, #tpu.memory_space<semaphore_mem>>)
      %dma_wait3A_59 = arith.constant 64 : i32
      %dma_wait3A_60 = tpu.memref_slice %arg7[%add3A_28, %dma_wait3A_59] : memref<53248x128xf32, #tpu.memory_space<hbm>> -> memref<832x64xf32, #tpu.memory_space<hbm>>
      %dma_wait3A_61 = arith.constant 64 : i32
      %dma_wait3A_62 = tpu.memref_slice %arg7[%add3A_28, %dma_wait3A_61] : memref<53248x128xf32, #tpu.memory_space<hbm>> -> memref<832x64xf32, #tpu.memory_space<hbm>>
      tpu.wait_dma2 semaphore(%run_scoped3A : memref<!tpu.dma_semaphore, #tpu.memory_space<semaphore_mem>>) src(%arg12 : memref<832x64xf32, #tpu.memory_space<vmem>>) dst(%dma_wait3A_62 : memref<832x64xf32, #tpu.memory_space<hbm>>)
      tpu.yield
    }) : () -> ()
    %dma_start3A_29 = arith.constant 832 : i32
    %dma_start3A_30 = tpu.memref_slice %arg9[%dma_start3A_29] : memref<1664xi32, #tpu.memory_space<vmem>> -> memref<832xi32, #tpu.memory_space<vmem>>
    %dma_start3A_31 = arith.constant 0 : i32
    %dma_start3A_32 = arith.constant 0 : i32
    %dma_start3A_33 = tpu.memref_slice %arg5[%dma_start3A_31, %dma_start3A_32] : memref<1000000x64xf32, #tpu.memory_space<hbm>> -> memref<1000000x64xf32, #tpu.memory_space<hbm>>
    tpu.enqueue_indirect_dma source(%dma_start3A_33 : memref<1000000x64xf32, #tpu.memory_space<hbm>>) target(%arg11 : memref<832x64xf32, #tpu.memory_space<vmem>>) offsets(%dma_start3A_30 : memref<832xi32, #tpu.memory_space<vmem>>) semaphore(%arg15 : memref<!tpu.dma_semaphore, #tpu.memory_space<semaphore_mem>>)
    %dma_start3A_34 = arith.constant 832 : i32
    %dma_start3A_35 = tpu.memref_slice %arg10[%dma_start3A_34] : memref<1664xi32, #tpu.memory_space<vmem>> -> memref<832xi32, #tpu.memory_space<vmem>>
    %dma_start3A_36 = arith.constant 0 : i32
    %dma_start3A_37 = arith.constant 0 : i32
    %dma_start3A_38 = tpu.memref_slice %arg5[%dma_start3A_36, %dma_start3A_37] : memref<1000000x64xf32, #tpu.memory_space<hbm>> -> memref<1000000x64xf32, #tpu.memory_space<hbm>>
    tpu.enqueue_indirect_dma source(%dma_start3A_38 : memref<1000000x64xf32, #tpu.memory_space<hbm>>) target(%arg12 : memref<832x64xf32, #tpu.memory_space<vmem>>) offsets(%dma_start3A_35 : memref<832xi32, #tpu.memory_space<vmem>>) semaphore(%arg15 : memref<!tpu.dma_semaphore, #tpu.memory_space<semaphore_mem>>)
    %dma_wait3A_39 = arith.constant 832 : i32
    %dma_wait3A_40 = tpu.memref_slice %arg9[%dma_wait3A_39] : memref<1664xi32, #tpu.memory_space<vmem>> -> memref<832xi32, #tpu.memory_space<vmem>>
    %dma_wait3A_41 = arith.constant 0 : i32
    %dma_wait3A_42 = arith.constant 0 : i32
    %dma_wait3A_43 = tpu.memref_slice %arg5[%dma_wait3A_41, %dma_wait3A_42] : memref<1000000x64xf32, #tpu.memory_space<hbm>> -> memref<1000000x64xf32, #tpu.memory_space<hbm>>
    tpu.wait_indirect_dma semaphore(%arg15 : memref<!tpu.dma_semaphore, #tpu.memory_space<semaphore_mem>>) src(%dma_wait3A_43 : memref<1000000x64xf32, #tpu.memory_space<hbm>>) dst(%arg11 : memref<832x64xf32, #tpu.memory_space<vmem>>)
    %dma_wait3A_44 = arith.constant 832 : i32
    %dma_wait3A_45 = tpu.memref_slice %arg10[%dma_wait3A_44] : memref<1664xi32, #tpu.memory_space<vmem>> -> memref<832xi32, #tpu.memory_space<vmem>>
    %dma_wait3A_46 = arith.constant 0 : i32
    %dma_wait3A_47 = arith.constant 0 : i32
    %dma_wait3A_48 = tpu.memref_slice %arg5[%dma_wait3A_46, %dma_wait3A_47] : memref<1000000x64xf32, #tpu.memory_space<hbm>> -> memref<1000000x64xf32, #tpu.memory_space<hbm>>
    tpu.wait_indirect_dma semaphore(%arg15 : memref<!tpu.dma_semaphore, #tpu.memory_space<semaphore_mem>>) src(%dma_wait3A_48 : memref<1000000x64xf32, #tpu.memory_space<hbm>>) dst(%arg12 : memref<832x64xf32, #tpu.memory_space<vmem>>)
    %add3A_49 = arith.constant 832 : i32
    %add3A_50 = arith.addi %mul3A_2, %add3A_49 : i32
    "tpu.region"() ({
      %run_scoped3A = tpu.sem_alloc : memref<!tpu.dma_semaphore, #tpu.memory_space<semaphore_mem>>
      %dma_start3A_55 = arith.constant 0 : i32
      %dma_start3A_56 = tpu.memref_slice %arg7[%add3A_50, %dma_start3A_55] : memref<53248x128xf32, #tpu.memory_space<hbm>> -> memref<832x64xf32, #tpu.memory_space<hbm>>
      %dma_start3A_57 = arith.constant 0 : i32
      %dma_start3A_58 = tpu.memref_slice %arg7[%add3A_50, %dma_start3A_57] : memref<53248x128xf32, #tpu.memory_space<hbm>> -> memref<832x64xf32, #tpu.memory_space<hbm>>
      tpu.enqueue_dma source(%arg11 : memref<832x64xf32, #tpu.memory_space<vmem>>) target(%dma_start3A_58 : memref<832x64xf32, #tpu.memory_space<hbm>>) target_semaphore(%run_scoped3A : memref<!tpu.dma_semaphore, #tpu.memory_space<semaphore_mem>>)
      %dma_wait3A_59 = arith.constant 0 : i32
      %dma_wait3A_60 = tpu.memref_slice %arg7[%add3A_50, %dma_wait3A_59] : memref<53248x128xf32, #tpu.memory_space<hbm>> -> memref<832x64xf32, #tpu.memory_space<hbm>>
      %dma_wait3A_61 = arith.constant 0 : i32
      %dma_wait3A_62 = tpu.memref_slice %arg7[%add3A_50, %dma_wait3A_61] : memref<53248x128xf32, #tpu.memory_space<hbm>> -> memref<832x64xf32, #tpu.memory_space<hbm>>
      tpu.wait_dma2 semaphore(%run_scoped3A : memref<!tpu.dma_semaphore, #tpu.memory_space<semaphore_mem>>) src(%arg11 : memref<832x64xf32, #tpu.memory_space<vmem>>) dst(%dma_wait3A_62 : memref<832x64xf32, #tpu.memory_space<hbm>>)
      tpu.yield
    }) : () -> ()
    %add3A_51 = arith.constant 832 : i32
    %add3A_52 = arith.addi %mul3A_2, %add3A_51 : i32
    "tpu.region"() ({
      %run_scoped3A = tpu.sem_alloc : memref<!tpu.dma_semaphore, #tpu.memory_space<semaphore_mem>>
      %dma_start3A_55 = arith.constant 64 : i32
      %dma_start3A_56 = tpu.memref_slice %arg7[%add3A_52, %dma_start3A_55] : memref<53248x128xf32, #tpu.memory_space<hbm>> -> memref<832x64xf32, #tpu.memory_space<hbm>>
      %dma_start3A_57 = arith.constant 64 : i32
      %dma_start3A_58 = tpu.memref_slice %arg7[%add3A_52, %dma_start3A_57] : memref<53248x128xf32, #tpu.memory_space<hbm>> -> memref<832x64xf32, #tpu.memory_space<hbm>>
      tpu.enqueue_dma source(%arg12 : memref<832x64xf32, #tpu.memory_space<vmem>>) target(%dma_start3A_58 : memref<832x64xf32, #tpu.memory_space<hbm>>) target_semaphore(%run_scoped3A : memref<!tpu.dma_semaphore, #tpu.memory_space<semaphore_mem>>)
      %dma_wait3A_59 = arith.constant 64 : i32
      %dma_wait3A_60 = tpu.memref_slice %arg7[%add3A_52, %dma_wait3A_59] : memref<53248x128xf32, #tpu.memory_space<hbm>> -> memref<832x64xf32, #tpu.memory_space<hbm>>
      %dma_wait3A_61 = arith.constant 64 : i32
      %dma_wait3A_62 = tpu.memref_slice %arg7[%add3A_52, %dma_wait3A_61] : memref<53248x128xf32, #tpu.memory_space<hbm>> -> memref<832x64xf32, #tpu.memory_space<hbm>>
      tpu.wait_dma2 semaphore(%run_scoped3A : memref<!tpu.dma_semaphore, #tpu.memory_space<semaphore_mem>>) src(%arg12 : memref<832x64xf32, #tpu.memory_space<vmem>>) dst(%dma_wait3A_62 : memref<832x64xf32, #tpu.memory_space<hbm>>)
      tpu.yield
    }) : () -> ()
    %dma_wait3A_53 = arith.constant 0 : i32
    %dma_wait3A_54 = tpu.memref_slice %arg6[%dma_wait3A_53] : memref<1000000xf32, #tpu.memory_space<hbm>> -> memref<1000000xf32, #tpu.memory_space<hbm>>
    tpu.wait_indirect_dma semaphore(%arg16 : memref<!tpu.dma_semaphore, #tpu.memory_space<semaphore_mem>>) src(%dma_wait3A_54 : memref<1000000xf32, #tpu.memory_space<hbm>>) dst(%arg14 : memref<3328xf32, #tpu.memory_space<vmem>>)
    "tpu.region"() ({
      %run_scoped3A = tpu.sem_alloc : memref<!tpu.dma_semaphore, #tpu.memory_space<semaphore_mem>>
      %dma_start3A_55 = tpu.memref_slice %arg8[%mul3A_4] : memref<106496xf32, #tpu.memory_space<hbm>> -> memref<3328xf32, #tpu.memory_space<hbm>>
      %dma_start3A_56 = tpu.memref_slice %arg8[%mul3A_4] : memref<106496xf32, #tpu.memory_space<hbm>> -> memref<3328xf32, #tpu.memory_space<hbm>>
      tpu.enqueue_dma source(%arg14 : memref<3328xf32, #tpu.memory_space<vmem>>) target(%dma_start3A_56 : memref<3328xf32, #tpu.memory_space<hbm>>) target_semaphore(%run_scoped3A : memref<!tpu.dma_semaphore, #tpu.memory_space<semaphore_mem>>)
      %dma_wait3A_57 = tpu.memref_slice %arg8[%mul3A_4] : memref<106496xf32, #tpu.memory_space<hbm>> -> memref<3328xf32, #tpu.memory_space<hbm>>
      %dma_wait3A_58 = tpu.memref_slice %arg8[%mul3A_4] : memref<106496xf32, #tpu.memory_space<hbm>> -> memref<3328xf32, #tpu.memory_space<hbm>>
      tpu.wait_dma2 semaphore(%run_scoped3A : memref<!tpu.dma_semaphore, #tpu.memory_space<semaphore_mem>>) src(%arg14 : memref<3328xf32, #tpu.memory_space<vmem>>) dst(%dma_wait3A_58 : memref<3328xf32, #tpu.memory_space<hbm>>)
      tpu.yield
    }) : () -> ()
    return
  }
}

module attributes {stable_mosaic.version = 14 : i64} {
  func.func @_fm_l1_body(%arg0: i32, %arg1: memref<13x512x128xf32, #tpu.memory_space<vmem>>, %arg2: memref<512x26xf32, #tpu.memory_space<vmem>>, %arg3: memref<13x128x512xf32, #tpu.memory_space<vmem>>, %arg4: memref<1x512xf32, #tpu.memory_space<vmem>>, %arg5: memref<128x64xf32, #tpu.memory_space<vmem>>, %arg6: memref<512x512xf32, #tpu.memory_space<vmem>>, %arg7: memref<512x1xf32, #tpu.memory_space<vmem>>) attributes {dimension_semantics = [#tpu.dimension_semantics<arbitrary>], iteration_bounds = array<i64: 8>, scalar_prefetch = 0 : i64, scratch_operands = 0 : i64, tpu.core_type = #tpu.core_type<tc>, window_params = [{transform_indices = @transform_0, window_bounds = array<i64: 13, 512, 128>}, {transform_indices = @transform_1, window_bounds = array<i64: 512, 26>}, {pipeline_mode = #tpu.pipeline_mode<synchronous>, transform_indices = @transform_2, window_bounds = array<i64: 13, 128, 512>}, {pipeline_mode = #tpu.pipeline_mode<synchronous>, transform_indices = @transform_3, window_bounds = array<i64: 1, 512>}, {pipeline_mode = #tpu.pipeline_mode<synchronous>, transform_indices = @transform_4, window_bounds = array<i64: 128, 64>}, {transform_indices = @transform_5, window_bounds = array<i64: 512, 512>}, {transform_indices = @transform_6, window_bounds = array<i64: 512, 1>}]} {
    %get3A = arith.constant 0 : index
    %get3A_0 = arith.constant 0 : index
    %get3A_1 = vector.load %arg4[%get3A, %get3A_0] : memref<1x512xf32, #tpu.memory_space<vmem>>, vector<1x512xf32>
    %broadcast_in_dim3A = arith.constant 0.000000e+00 : f32
    %broadcast_in_dim3A_2 = vector.broadcast %broadcast_in_dim3A : f32 to vector<512x64xf32>
    %broadcast_in_dim3A_3 = arith.constant 0.000000e+00 : f32
    %broadcast_in_dim3A_4 = vector.broadcast %broadcast_in_dim3A_3 : f32 to vector<512x1xf32>
    %get3A_5 = arith.constant 0 : index
    %get3A_6 = arith.constant 0 : index
    %get3A_7 = arith.constant 0 : index
    %get3A_8 = vector.load %arg1[%get3A_5, %get3A_6, %get3A_7] : memref<13x512x128xf32, #tpu.memory_space<vmem>>, vector<1x512x128xf32>
    %get3A_9 = vector.shape_cast %get3A_8 : vector<1x512x128xf32> to vector<512x128xf32>
    %get3A_10 = arith.constant 0 : index
    %get3A_11 = arith.constant 0 : index
    %get3A_12 = arith.constant 0 : index
    %get3A_13 = vector.load %arg3[%get3A_10, %get3A_11, %get3A_12] : memref<13x128x512xf32, #tpu.memory_space<vmem>>, vector<1x128x512xf32>
    %get3A_14 = vector.shape_cast %get3A_13 : vector<1x128x512xf32> to vector<128x512xf32>
    %dot_general3A = arith.constant dense<0.000000e+00> : vector<512x512xf32>
    %dot_general3A_15 = tpu.matmul %get3A_9, %get3A_14, %dot_general3A {dimension_numbers = #tpu.dot_dimension_numbers<[1], [0], [0], [1], [0, 0, 1, 1], [], []>, transpose_lhs_hint = false} : vector<512x128xf32>, vector<128x512xf32>, vector<512x512xf32> -> vector<512x512xf32>
    %add3A = vector.broadcast %get3A_1 : vector<1x512xf32> to vector<512x512xf32>
    %add3A_16 = arith.addf %add3A, %dot_general3A_15 : vector<512x512xf32>
    %get3A_17 = arith.constant 0 : index
    %get3A_18 = arith.constant 0 : index
    %get3A_19 = vector.load %arg5[%get3A_17, %get3A_18] : memref<128x64xf32, #tpu.memory_space<vmem>>, vector<128x64xf32>
    %dot_general3A_20 = arith.constant dense<0.000000e+00> : vector<512x64xf32>
    %dot_general3A_21 = tpu.matmul %get3A_9, %get3A_19, %dot_general3A_20 {dimension_numbers = #tpu.dot_dimension_numbers<[1], [0], [0], [1], [0, 0, 1, 1], [], []>, transpose_lhs_hint = false} : vector<512x128xf32>, vector<128x64xf32>, vector<512x64xf32> -> vector<512x64xf32>
    %add3A_22 = arith.addf %broadcast_in_dim3A_2, %dot_general3A_21 : vector<512x64xf32>
    %mul3A = arith.mulf %get3A_9, %get3A_9 : vector<512x128xf32>
    %reduce_sum3A = arith.constant dense<0.000000e+00> : vector<512xf32>
    %reduce_sum3A_23 = vector.multi_reduction <add>, %mul3A, %reduce_sum3A [1] : vector<512x128xf32> to vector<512xf32>
    %broadcast_in_dim3A_24 = vector.shape_cast %reduce_sum3A_23 : vector<512xf32> to vector<512x1xf32>
    %add3A_25 = arith.addf %broadcast_in_dim3A_4, %broadcast_in_dim3A_24 : vector<512x1xf32>
    %get3A_26 = arith.constant 1 : index
    %get3A_27 = arith.constant 0 : index
    %get3A_28 = arith.constant 0 : index
    %get3A_29 = vector.load %arg1[%get3A_26, %get3A_27, %get3A_28] : memref<13x512x128xf32, #tpu.memory_space<vmem>>, vector<1x512x128xf32>
    %get3A_30 = vector.shape_cast %get3A_29 : vector<1x512x128xf32> to vector<512x128xf32>
    %get3A_31 = arith.constant 1 : index
    %get3A_32 = arith.constant 0 : index
    %get3A_33 = arith.constant 0 : index
    %get3A_34 = vector.load %arg3[%get3A_31, %get3A_32, %get3A_33] : memref<13x128x512xf32, #tpu.memory_space<vmem>>, vector<1x128x512xf32>
    %get3A_35 = vector.shape_cast %get3A_34 : vector<1x128x512xf32> to vector<128x512xf32>
    %dot_general3A_36 = arith.constant dense<0.000000e+00> : vector<512x512xf32>
    %dot_general3A_37 = tpu.matmul %get3A_30, %get3A_35, %dot_general3A_36 {dimension_numbers = #tpu.dot_dimension_numbers<[1], [0], [0], [1], [0, 0, 1, 1], [], []>, transpose_lhs_hint = false} : vector<512x128xf32>, vector<128x512xf32>, vector<512x512xf32> -> vector<512x512xf32>
    %add3A_38 = arith.addf %add3A_16, %dot_general3A_37 : vector<512x512xf32>
    %get3A_39 = arith.constant 0 : index
    %get3A_40 = arith.constant 0 : index
    %get3A_41 = vector.load %arg5[%get3A_39, %get3A_40] : memref<128x64xf32, #tpu.memory_space<vmem>>, vector<128x64xf32>
    %dot_general3A_42 = arith.constant dense<0.000000e+00> : vector<512x64xf32>
    %dot_general3A_43 = tpu.matmul %get3A_30, %get3A_41, %dot_general3A_42 {dimension_numbers = #tpu.dot_dimension_numbers<[1], [0], [0], [1], [0, 0, 1, 1], [], []>, transpose_lhs_hint = false} : vector<512x128xf32>, vector<128x64xf32>, vector<512x64xf32> -> vector<512x64xf32>
    %add3A_44 = arith.addf %add3A_22, %dot_general3A_43 : vector<512x64xf32>
    %mul3A_45 = arith.mulf %get3A_30, %get3A_30 : vector<512x128xf32>
    %reduce_sum3A_46 = arith.constant dense<0.000000e+00> : vector<512xf32>
    %reduce_sum3A_47 = vector.multi_reduction <add>, %mul3A_45, %reduce_sum3A_46 [1] : vector<512x128xf32> to vector<512xf32>
    %broadcast_in_dim3A_48 = vector.shape_cast %reduce_sum3A_47 : vector<512xf32> to vector<512x1xf32>
    %add3A_49 = arith.addf %add3A_25, %broadcast_in_dim3A_48 : vector<512x1xf32>
    %get3A_50 = arith.constant 2 : index
    %get3A_51 = arith.constant 0 : index
    %get3A_52 = arith.constant 0 : index
    %get3A_53 = vector.load %arg1[%get3A_50, %get3A_51, %get3A_52] : memref<13x512x128xf32, #tpu.memory_space<vmem>>, vector<1x512x128xf32>
    %get3A_54 = vector.shape_cast %get3A_53 : vector<1x512x128xf32> to vector<512x128xf32>
    %get3A_55 = arith.constant 2 : index
    %get3A_56 = arith.constant 0 : index
    %get3A_57 = arith.constant 0 : index
    %get3A_58 = vector.load %arg3[%get3A_55, %get3A_56, %get3A_57] : memref<13x128x512xf32, #tpu.memory_space<vmem>>, vector<1x128x512xf32>
    %get3A_59 = vector.shape_cast %get3A_58 : vector<1x128x512xf32> to vector<128x512xf32>
    %dot_general3A_60 = arith.constant dense<0.000000e+00> : vector<512x512xf32>
    %dot_general3A_61 = tpu.matmul %get3A_54, %get3A_59, %dot_general3A_60 {dimension_numbers = #tpu.dot_dimension_numbers<[1], [0], [0], [1], [0, 0, 1, 1], [], []>, transpose_lhs_hint = false} : vector<512x128xf32>, vector<128x512xf32>, vector<512x512xf32> -> vector<512x512xf32>
    %add3A_62 = arith.addf %add3A_38, %dot_general3A_61 : vector<512x512xf32>
    %get3A_63 = arith.constant 0 : index
    %get3A_64 = arith.constant 0 : index
    %get3A_65 = vector.load %arg5[%get3A_63, %get3A_64] : memref<128x64xf32, #tpu.memory_space<vmem>>, vector<128x64xf32>
    %dot_general3A_66 = arith.constant dense<0.000000e+00> : vector<512x64xf32>
    %dot_general3A_67 = tpu.matmul %get3A_54, %get3A_65, %dot_general3A_66 {dimension_numbers = #tpu.dot_dimension_numbers<[1], [0], [0], [1], [0, 0, 1, 1], [], []>, transpose_lhs_hint = false} : vector<512x128xf32>, vector<128x64xf32>, vector<512x64xf32> -> vector<512x64xf32>
    %add3A_68 = arith.addf %add3A_44, %dot_general3A_67 : vector<512x64xf32>
    %mul3A_69 = arith.mulf %get3A_54, %get3A_54 : vector<512x128xf32>
    %reduce_sum3A_70 = arith.constant dense<0.000000e+00> : vector<512xf32>
    %reduce_sum3A_71 = vector.multi_reduction <add>, %mul3A_69, %reduce_sum3A_70 [1] : vector<512x128xf32> to vector<512xf32>
    %broadcast_in_dim3A_72 = vector.shape_cast %reduce_sum3A_71 : vector<512xf32> to vector<512x1xf32>
    %add3A_73 = arith.addf %add3A_49, %broadcast_in_dim3A_72 : vector<512x1xf32>
    %get3A_74 = arith.constant 3 : index
    %get3A_75 = arith.constant 0 : index
    %get3A_76 = arith.constant 0 : index
    %get3A_77 = vector.load %arg1[%get3A_74, %get3A_75, %get3A_76] : memref<13x512x128xf32, #tpu.memory_space<vmem>>, vector<1x512x128xf32>
    %get3A_78 = vector.shape_cast %get3A_77 : vector<1x512x128xf32> to vector<512x128xf32>
    %get3A_79 = arith.constant 3 : index
    %get3A_80 = arith.constant 0 : index
    %get3A_81 = arith.constant 0 : index
    %get3A_82 = vector.load %arg3[%get3A_79, %get3A_80, %get3A_81] : memref<13x128x512xf32, #tpu.memory_space<vmem>>, vector<1x128x512xf32>
    %get3A_83 = vector.shape_cast %get3A_82 : vector<1x128x512xf32> to vector<128x512xf32>
    %dot_general3A_84 = arith.constant dense<0.000000e+00> : vector<512x512xf32>
    %dot_general3A_85 = tpu.matmul %get3A_78, %get3A_83, %dot_general3A_84 {dimension_numbers = #tpu.dot_dimension_numbers<[1], [0], [0], [1], [0, 0, 1, 1], [], []>, transpose_lhs_hint = false} : vector<512x128xf32>, vector<128x512xf32>, vector<512x512xf32> -> vector<512x512xf32>
    %add3A_86 = arith.addf %add3A_62, %dot_general3A_85 : vector<512x512xf32>
    %get3A_87 = arith.constant 0 : index
    %get3A_88 = arith.constant 0 : index
    %get3A_89 = vector.load %arg5[%get3A_87, %get3A_88] : memref<128x64xf32, #tpu.memory_space<vmem>>, vector<128x64xf32>
    %dot_general3A_90 = arith.constant dense<0.000000e+00> : vector<512x64xf32>
    %dot_general3A_91 = tpu.matmul %get3A_78, %get3A_89, %dot_general3A_90 {dimension_numbers = #tpu.dot_dimension_numbers<[1], [0], [0], [1], [0, 0, 1, 1], [], []>, transpose_lhs_hint = false} : vector<512x128xf32>, vector<128x64xf32>, vector<512x64xf32> -> vector<512x64xf32>
    %add3A_92 = arith.addf %add3A_68, %dot_general3A_91 : vector<512x64xf32>
    %mul3A_93 = arith.mulf %get3A_78, %get3A_78 : vector<512x128xf32>
    %reduce_sum3A_94 = arith.constant dense<0.000000e+00> : vector<512xf32>
    %reduce_sum3A_95 = vector.multi_reduction <add>, %mul3A_93, %reduce_sum3A_94 [1] : vector<512x128xf32> to vector<512xf32>
    %broadcast_in_dim3A_96 = vector.shape_cast %reduce_sum3A_95 : vector<512xf32> to vector<512x1xf32>
    %add3A_97 = arith.addf %add3A_73, %broadcast_in_dim3A_96 : vector<512x1xf32>
    %get3A_98 = arith.constant 4 : index
    %get3A_99 = arith.constant 0 : index
    %get3A_100 = arith.constant 0 : index
    %get3A_101 = vector.load %arg1[%get3A_98, %get3A_99, %get3A_100] : memref<13x512x128xf32, #tpu.memory_space<vmem>>, vector<1x512x128xf32>
    %get3A_102 = vector.shape_cast %get3A_101 : vector<1x512x128xf32> to vector<512x128xf32>
    %get3A_103 = arith.constant 4 : index
    %get3A_104 = arith.constant 0 : index
    %get3A_105 = arith.constant 0 : index
    %get3A_106 = vector.load %arg3[%get3A_103, %get3A_104, %get3A_105] : memref<13x128x512xf32, #tpu.memory_space<vmem>>, vector<1x128x512xf32>
    %get3A_107 = vector.shape_cast %get3A_106 : vector<1x128x512xf32> to vector<128x512xf32>
    %dot_general3A_108 = arith.constant dense<0.000000e+00> : vector<512x512xf32>
    %dot_general3A_109 = tpu.matmul %get3A_102, %get3A_107, %dot_general3A_108 {dimension_numbers = #tpu.dot_dimension_numbers<[1], [0], [0], [1], [0, 0, 1, 1], [], []>, transpose_lhs_hint = false} : vector<512x128xf32>, vector<128x512xf32>, vector<512x512xf32> -> vector<512x512xf32>
    %add3A_110 = arith.addf %add3A_86, %dot_general3A_109 : vector<512x512xf32>
    %get3A_111 = arith.constant 0 : index
    %get3A_112 = arith.constant 0 : index
    %get3A_113 = vector.load %arg5[%get3A_111, %get3A_112] : memref<128x64xf32, #tpu.memory_space<vmem>>, vector<128x64xf32>
    %dot_general3A_114 = arith.constant dense<0.000000e+00> : vector<512x64xf32>
    %dot_general3A_115 = tpu.matmul %get3A_102, %get3A_113, %dot_general3A_114 {dimension_numbers = #tpu.dot_dimension_numbers<[1], [0], [0], [1], [0, 0, 1, 1], [], []>, transpose_lhs_hint = false} : vector<512x128xf32>, vector<128x64xf32>, vector<512x64xf32> -> vector<512x64xf32>
    %add3A_116 = arith.addf %add3A_92, %dot_general3A_115 : vector<512x64xf32>
    %mul3A_117 = arith.mulf %get3A_102, %get3A_102 : vector<512x128xf32>
    %reduce_sum3A_118 = arith.constant dense<0.000000e+00> : vector<512xf32>
    %reduce_sum3A_119 = vector.multi_reduction <add>, %mul3A_117, %reduce_sum3A_118 [1] : vector<512x128xf32> to vector<512xf32>
    %broadcast_in_dim3A_120 = vector.shape_cast %reduce_sum3A_119 : vector<512xf32> to vector<512x1xf32>
    %add3A_121 = arith.addf %add3A_97, %broadcast_in_dim3A_120 : vector<512x1xf32>
    %get3A_122 = arith.constant 5 : index
    %get3A_123 = arith.constant 0 : index
    %get3A_124 = arith.constant 0 : index
    %get3A_125 = vector.load %arg1[%get3A_122, %get3A_123, %get3A_124] : memref<13x512x128xf32, #tpu.memory_space<vmem>>, vector<1x512x128xf32>
    %get3A_126 = vector.shape_cast %get3A_125 : vector<1x512x128xf32> to vector<512x128xf32>
    %get3A_127 = arith.constant 5 : index
    %get3A_128 = arith.constant 0 : index
    %get3A_129 = arith.constant 0 : index
    %get3A_130 = vector.load %arg3[%get3A_127, %get3A_128, %get3A_129] : memref<13x128x512xf32, #tpu.memory_space<vmem>>, vector<1x128x512xf32>
    %get3A_131 = vector.shape_cast %get3A_130 : vector<1x128x512xf32> to vector<128x512xf32>
    %dot_general3A_132 = arith.constant dense<0.000000e+00> : vector<512x512xf32>
    %dot_general3A_133 = tpu.matmul %get3A_126, %get3A_131, %dot_general3A_132 {dimension_numbers = #tpu.dot_dimension_numbers<[1], [0], [0], [1], [0, 0, 1, 1], [], []>, transpose_lhs_hint = false} : vector<512x128xf32>, vector<128x512xf32>, vector<512x512xf32> -> vector<512x512xf32>
    %add3A_134 = arith.addf %add3A_110, %dot_general3A_133 : vector<512x512xf32>
    %get3A_135 = arith.constant 0 : index
    %get3A_136 = arith.constant 0 : index
    %get3A_137 = vector.load %arg5[%get3A_135, %get3A_136] : memref<128x64xf32, #tpu.memory_space<vmem>>, vector<128x64xf32>
    %dot_general3A_138 = arith.constant dense<0.000000e+00> : vector<512x64xf32>
    %dot_general3A_139 = tpu.matmul %get3A_126, %get3A_137, %dot_general3A_138 {dimension_numbers = #tpu.dot_dimension_numbers<[1], [0], [0], [1], [0, 0, 1, 1], [], []>, transpose_lhs_hint = false} : vector<512x128xf32>, vector<128x64xf32>, vector<512x64xf32> -> vector<512x64xf32>
    %add3A_140 = arith.addf %add3A_116, %dot_general3A_139 : vector<512x64xf32>
    %mul3A_141 = arith.mulf %get3A_126, %get3A_126 : vector<512x128xf32>
    %reduce_sum3A_142 = arith.constant dense<0.000000e+00> : vector<512xf32>
    %reduce_sum3A_143 = vector.multi_reduction <add>, %mul3A_141, %reduce_sum3A_142 [1] : vector<512x128xf32> to vector<512xf32>
    %broadcast_in_dim3A_144 = vector.shape_cast %reduce_sum3A_143 : vector<512xf32> to vector<512x1xf32>
    %add3A_145 = arith.addf %add3A_121, %broadcast_in_dim3A_144 : vector<512x1xf32>
    %get3A_146 = arith.constant 6 : index
    %get3A_147 = arith.constant 0 : index
    %get3A_148 = arith.constant 0 : index
    %get3A_149 = vector.load %arg1[%get3A_146, %get3A_147, %get3A_148] : memref<13x512x128xf32, #tpu.memory_space<vmem>>, vector<1x512x128xf32>
    %get3A_150 = vector.shape_cast %get3A_149 : vector<1x512x128xf32> to vector<512x128xf32>
    %get3A_151 = arith.constant 6 : index
    %get3A_152 = arith.constant 0 : index
    %get3A_153 = arith.constant 0 : index
    %get3A_154 = vector.load %arg3[%get3A_151, %get3A_152, %get3A_153] : memref<13x128x512xf32, #tpu.memory_space<vmem>>, vector<1x128x512xf32>
    %get3A_155 = vector.shape_cast %get3A_154 : vector<1x128x512xf32> to vector<128x512xf32>
    %dot_general3A_156 = arith.constant dense<0.000000e+00> : vector<512x512xf32>
    %dot_general3A_157 = tpu.matmul %get3A_150, %get3A_155, %dot_general3A_156 {dimension_numbers = #tpu.dot_dimension_numbers<[1], [0], [0], [1], [0, 0, 1, 1], [], []>, transpose_lhs_hint = false} : vector<512x128xf32>, vector<128x512xf32>, vector<512x512xf32> -> vector<512x512xf32>
    %add3A_158 = arith.addf %add3A_134, %dot_general3A_157 : vector<512x512xf32>
    %get3A_159 = arith.constant 0 : index
    %get3A_160 = arith.constant 0 : index
    %get3A_161 = vector.load %arg5[%get3A_159, %get3A_160] : memref<128x64xf32, #tpu.memory_space<vmem>>, vector<128x64xf32>
    %dot_general3A_162 = arith.constant dense<0.000000e+00> : vector<512x64xf32>
    %dot_general3A_163 = tpu.matmul %get3A_150, %get3A_161, %dot_general3A_162 {dimension_numbers = #tpu.dot_dimension_numbers<[1], [0], [0], [1], [0, 0, 1, 1], [], []>, transpose_lhs_hint = false} : vector<512x128xf32>, vector<128x64xf32>, vector<512x64xf32> -> vector<512x64xf32>
    %add3A_164 = arith.addf %add3A_140, %dot_general3A_163 : vector<512x64xf32>
    %mul3A_165 = arith.mulf %get3A_150, %get3A_150 : vector<512x128xf32>
    %reduce_sum3A_166 = arith.constant dense<0.000000e+00> : vector<512xf32>
    %reduce_sum3A_167 = vector.multi_reduction <add>, %mul3A_165, %reduce_sum3A_166 [1] : vector<512x128xf32> to vector<512xf32>
    %broadcast_in_dim3A_168 = vector.shape_cast %reduce_sum3A_167 : vector<512xf32> to vector<512x1xf32>
    %add3A_169 = arith.addf %add3A_145, %broadcast_in_dim3A_168 : vector<512x1xf32>
    %get3A_170 = arith.constant 7 : index
    %get3A_171 = arith.constant 0 : index
    %get3A_172 = arith.constant 0 : index
    %get3A_173 = vector.load %arg1[%get3A_170, %get3A_171, %get3A_172] : memref<13x512x128xf32, #tpu.memory_space<vmem>>, vector<1x512x128xf32>
    %get3A_174 = vector.shape_cast %get3A_173 : vector<1x512x128xf32> to vector<512x128xf32>
    %get3A_175 = arith.constant 7 : index
    %get3A_176 = arith.constant 0 : index
    %get3A_177 = arith.constant 0 : index
    %get3A_178 = vector.load %arg3[%get3A_175, %get3A_176, %get3A_177] : memref<13x128x512xf32, #tpu.memory_space<vmem>>, vector<1x128x512xf32>
    %get3A_179 = vector.shape_cast %get3A_178 : vector<1x128x512xf32> to vector<128x512xf32>
    %dot_general3A_180 = arith.constant dense<0.000000e+00> : vector<512x512xf32>
    %dot_general3A_181 = tpu.matmul %get3A_174, %get3A_179, %dot_general3A_180 {dimension_numbers = #tpu.dot_dimension_numbers<[1], [0], [0], [1], [0, 0, 1, 1], [], []>, transpose_lhs_hint = false} : vector<512x128xf32>, vector<128x512xf32>, vector<512x512xf32> -> vector<512x512xf32>
    %add3A_182 = arith.addf %add3A_158, %dot_general3A_181 : vector<512x512xf32>
    %get3A_183 = arith.constant 0 : index
    %get3A_184 = arith.constant 0 : index
    %get3A_185 = vector.load %arg5[%get3A_183, %get3A_184] : memref<128x64xf32, #tpu.memory_space<vmem>>, vector<128x64xf32>
    %dot_general3A_186 = arith.constant dense<0.000000e+00> : vector<512x64xf32>
    %dot_general3A_187 = tpu.matmul %get3A_174, %get3A_185, %dot_general3A_186 {dimension_numbers = #tpu.dot_dimension_numbers<[1], [0], [0], [1], [0, 0, 1, 1], [], []>, transpose_lhs_hint = false} : vector<512x128xf32>, vector<128x64xf32>, vector<512x64xf32> -> vector<512x64xf32>
    %add3A_188 = arith.addf %add3A_164, %dot_general3A_187 : vector<512x64xf32>
    %mul3A_189 = arith.mulf %get3A_174, %get3A_174 : vector<512x128xf32>
    %reduce_sum3A_190 = arith.constant dense<0.000000e+00> : vector<512xf32>
    %reduce_sum3A_191 = vector.multi_reduction <add>, %mul3A_189, %reduce_sum3A_190 [1] : vector<512x128xf32> to vector<512xf32>
    %broadcast_in_dim3A_192 = vector.shape_cast %reduce_sum3A_191 : vector<512xf32> to vector<512x1xf32>
    %add3A_193 = arith.addf %add3A_169, %broadcast_in_dim3A_192 : vector<512x1xf32>
    %get3A_194 = arith.constant 8 : index
    %get3A_195 = arith.constant 0 : index
    %get3A_196 = arith.constant 0 : index
    %get3A_197 = vector.load %arg1[%get3A_194, %get3A_195, %get3A_196] : memref<13x512x128xf32, #tpu.memory_space<vmem>>, vector<1x512x128xf32>
    %get3A_198 = vector.shape_cast %get3A_197 : vector<1x512x128xf32> to vector<512x128xf32>
    %get3A_199 = arith.constant 8 : index
    %get3A_200 = arith.constant 0 : index
    %get3A_201 = arith.constant 0 : index
    %get3A_202 = vector.load %arg3[%get3A_199, %get3A_200, %get3A_201] : memref<13x128x512xf32, #tpu.memory_space<vmem>>, vector<1x128x512xf32>
    %get3A_203 = vector.shape_cast %get3A_202 : vector<1x128x512xf32> to vector<128x512xf32>
    %dot_general3A_204 = arith.constant dense<0.000000e+00> : vector<512x512xf32>
    %dot_general3A_205 = tpu.matmul %get3A_198, %get3A_203, %dot_general3A_204 {dimension_numbers = #tpu.dot_dimension_numbers<[1], [0], [0], [1], [0, 0, 1, 1], [], []>, transpose_lhs_hint = false} : vector<512x128xf32>, vector<128x512xf32>, vector<512x512xf32> -> vector<512x512xf32>
    %add3A_206 = arith.addf %add3A_182, %dot_general3A_205 : vector<512x512xf32>
    %get3A_207 = arith.constant 0 : index
    %get3A_208 = arith.constant 0 : index
    %get3A_209 = vector.load %arg5[%get3A_207, %get3A_208] : memref<128x64xf32, #tpu.memory_space<vmem>>, vector<128x64xf32>
    %dot_general3A_210 = arith.constant dense<0.000000e+00> : vector<512x64xf32>
    %dot_general3A_211 = tpu.matmul %get3A_198, %get3A_209, %dot_general3A_210 {dimension_numbers = #tpu.dot_dimension_numbers<[1], [0], [0], [1], [0, 0, 1, 1], [], []>, transpose_lhs_hint = false} : vector<512x128xf32>, vector<128x64xf32>, vector<512x64xf32> -> vector<512x64xf32>
    %add3A_212 = arith.addf %add3A_188, %dot_general3A_211 : vector<512x64xf32>
    %mul3A_213 = arith.mulf %get3A_198, %get3A_198 : vector<512x128xf32>
    %reduce_sum3A_214 = arith.constant dense<0.000000e+00> : vector<512xf32>
    %reduce_sum3A_215 = vector.multi_reduction <add>, %mul3A_213, %reduce_sum3A_214 [1] : vector<512x128xf32> to vector<512xf32>
    %broadcast_in_dim3A_216 = vector.shape_cast %reduce_sum3A_215 : vector<512xf32> to vector<512x1xf32>
    %add3A_217 = arith.addf %add3A_193, %broadcast_in_dim3A_216 : vector<512x1xf32>
    %get3A_218 = arith.constant 9 : index
    %get3A_219 = arith.constant 0 : index
    %get3A_220 = arith.constant 0 : index
    %get3A_221 = vector.load %arg1[%get3A_218, %get3A_219, %get3A_220] : memref<13x512x128xf32, #tpu.memory_space<vmem>>, vector<1x512x128xf32>
    %get3A_222 = vector.shape_cast %get3A_221 : vector<1x512x128xf32> to vector<512x128xf32>
    %get3A_223 = arith.constant 9 : index
    %get3A_224 = arith.constant 0 : index
    %get3A_225 = arith.constant 0 : index
    %get3A_226 = vector.load %arg3[%get3A_223, %get3A_224, %get3A_225] : memref<13x128x512xf32, #tpu.memory_space<vmem>>, vector<1x128x512xf32>
    %get3A_227 = vector.shape_cast %get3A_226 : vector<1x128x512xf32> to vector<128x512xf32>
    %dot_general3A_228 = arith.constant dense<0.000000e+00> : vector<512x512xf32>
    %dot_general3A_229 = tpu.matmul %get3A_222, %get3A_227, %dot_general3A_228 {dimension_numbers = #tpu.dot_dimension_numbers<[1], [0], [0], [1], [0, 0, 1, 1], [], []>, transpose_lhs_hint = false} : vector<512x128xf32>, vector<128x512xf32>, vector<512x512xf32> -> vector<512x512xf32>
    %add3A_230 = arith.addf %add3A_206, %dot_general3A_229 : vector<512x512xf32>
    %get3A_231 = arith.constant 0 : index
    %get3A_232 = arith.constant 0 : index
    %get3A_233 = vector.load %arg5[%get3A_231, %get3A_232] : memref<128x64xf32, #tpu.memory_space<vmem>>, vector<128x64xf32>
    %dot_general3A_234 = arith.constant dense<0.000000e+00> : vector<512x64xf32>
    %dot_general3A_235 = tpu.matmul %get3A_222, %get3A_233, %dot_general3A_234 {dimension_numbers = #tpu.dot_dimension_numbers<[1], [0], [0], [1], [0, 0, 1, 1], [], []>, transpose_lhs_hint = false} : vector<512x128xf32>, vector<128x64xf32>, vector<512x64xf32> -> vector<512x64xf32>
    %add3A_236 = arith.addf %add3A_212, %dot_general3A_235 : vector<512x64xf32>
    %mul3A_237 = arith.mulf %get3A_222, %get3A_222 : vector<512x128xf32>
    %reduce_sum3A_238 = arith.constant dense<0.000000e+00> : vector<512xf32>
    %reduce_sum3A_239 = vector.multi_reduction <add>, %mul3A_237, %reduce_sum3A_238 [1] : vector<512x128xf32> to vector<512xf32>
    %broadcast_in_dim3A_240 = vector.shape_cast %reduce_sum3A_239 : vector<512xf32> to vector<512x1xf32>
    %add3A_241 = arith.addf %add3A_217, %broadcast_in_dim3A_240 : vector<512x1xf32>
    %get3A_242 = arith.constant 10 : index
    %get3A_243 = arith.constant 0 : index
    %get3A_244 = arith.constant 0 : index
    %get3A_245 = vector.load %arg1[%get3A_242, %get3A_243, %get3A_244] : memref<13x512x128xf32, #tpu.memory_space<vmem>>, vector<1x512x128xf32>
    %get3A_246 = vector.shape_cast %get3A_245 : vector<1x512x128xf32> to vector<512x128xf32>
    %get3A_247 = arith.constant 10 : index
    %get3A_248 = arith.constant 0 : index
    %get3A_249 = arith.constant 0 : index
    %get3A_250 = vector.load %arg3[%get3A_247, %get3A_248, %get3A_249] : memref<13x128x512xf32, #tpu.memory_space<vmem>>, vector<1x128x512xf32>
    %get3A_251 = vector.shape_cast %get3A_250 : vector<1x128x512xf32> to vector<128x512xf32>
    %dot_general3A_252 = arith.constant dense<0.000000e+00> : vector<512x512xf32>
    %dot_general3A_253 = tpu.matmul %get3A_246, %get3A_251, %dot_general3A_252 {dimension_numbers = #tpu.dot_dimension_numbers<[1], [0], [0], [1], [0, 0, 1, 1], [], []>, transpose_lhs_hint = false} : vector<512x128xf32>, vector<128x512xf32>, vector<512x512xf32> -> vector<512x512xf32>
    %add3A_254 = arith.addf %add3A_230, %dot_general3A_253 : vector<512x512xf32>
    %get3A_255 = arith.constant 0 : index
    %get3A_256 = arith.constant 0 : index
    %get3A_257 = vector.load %arg5[%get3A_255, %get3A_256] : memref<128x64xf32, #tpu.memory_space<vmem>>, vector<128x64xf32>
    %dot_general3A_258 = arith.constant dense<0.000000e+00> : vector<512x64xf32>
    %dot_general3A_259 = tpu.matmul %get3A_246, %get3A_257, %dot_general3A_258 {dimension_numbers = #tpu.dot_dimension_numbers<[1], [0], [0], [1], [0, 0, 1, 1], [], []>, transpose_lhs_hint = false} : vector<512x128xf32>, vector<128x64xf32>, vector<512x64xf32> -> vector<512x64xf32>
    %add3A_260 = arith.addf %add3A_236, %dot_general3A_259 : vector<512x64xf32>
    %mul3A_261 = arith.mulf %get3A_246, %get3A_246 : vector<512x128xf32>
    %reduce_sum3A_262 = arith.constant dense<0.000000e+00> : vector<512xf32>
    %reduce_sum3A_263 = vector.multi_reduction <add>, %mul3A_261, %reduce_sum3A_262 [1] : vector<512x128xf32> to vector<512xf32>
    %broadcast_in_dim3A_264 = vector.shape_cast %reduce_sum3A_263 : vector<512xf32> to vector<512x1xf32>
    %add3A_265 = arith.addf %add3A_241, %broadcast_in_dim3A_264 : vector<512x1xf32>
    %get3A_266 = arith.constant 11 : index
    %get3A_267 = arith.constant 0 : index
    %get3A_268 = arith.constant 0 : index
    %get3A_269 = vector.load %arg1[%get3A_266, %get3A_267, %get3A_268] : memref<13x512x128xf32, #tpu.memory_space<vmem>>, vector<1x512x128xf32>
    %get3A_270 = vector.shape_cast %get3A_269 : vector<1x512x128xf32> to vector<512x128xf32>
    %get3A_271 = arith.constant 11 : index
    %get3A_272 = arith.constant 0 : index
    %get3A_273 = arith.constant 0 : index
    %get3A_274 = vector.load %arg3[%get3A_271, %get3A_272, %get3A_273] : memref<13x128x512xf32, #tpu.memory_space<vmem>>, vector<1x128x512xf32>
    %get3A_275 = vector.shape_cast %get3A_274 : vector<1x128x512xf32> to vector<128x512xf32>
    %dot_general3A_276 = arith.constant dense<0.000000e+00> : vector<512x512xf32>
    %dot_general3A_277 = tpu.matmul %get3A_270, %get3A_275, %dot_general3A_276 {dimension_numbers = #tpu.dot_dimension_numbers<[1], [0], [0], [1], [0, 0, 1, 1], [], []>, transpose_lhs_hint = false} : vector<512x128xf32>, vector<128x512xf32>, vector<512x512xf32> -> vector<512x512xf32>
    %add3A_278 = arith.addf %add3A_254, %dot_general3A_277 : vector<512x512xf32>
    %get3A_279 = arith.constant 0 : index
    %get3A_280 = arith.constant 0 : index
    %get3A_281 = vector.load %arg5[%get3A_279, %get3A_280] : memref<128x64xf32, #tpu.memory_space<vmem>>, vector<128x64xf32>
    %dot_general3A_282 = arith.constant dense<0.000000e+00> : vector<512x64xf32>
    %dot_general3A_283 = tpu.matmul %get3A_270, %get3A_281, %dot_general3A_282 {dimension_numbers = #tpu.dot_dimension_numbers<[1], [0], [0], [1], [0, 0, 1, 1], [], []>, transpose_lhs_hint = false} : vector<512x128xf32>, vector<128x64xf32>, vector<512x64xf32> -> vector<512x64xf32>
    %add3A_284 = arith.addf %add3A_260, %dot_general3A_283 : vector<512x64xf32>
    %mul3A_285 = arith.mulf %get3A_270, %get3A_270 : vector<512x128xf32>
    %reduce_sum3A_286 = arith.constant dense<0.000000e+00> : vector<512xf32>
    %reduce_sum3A_287 = vector.multi_reduction <add>, %mul3A_285, %reduce_sum3A_286 [1] : vector<512x128xf32> to vector<512xf32>
    %broadcast_in_dim3A_288 = vector.shape_cast %reduce_sum3A_287 : vector<512xf32> to vector<512x1xf32>
    %add3A_289 = arith.addf %add3A_265, %broadcast_in_dim3A_288 : vector<512x1xf32>
    %get3A_290 = arith.constant 12 : index
    %get3A_291 = arith.constant 0 : index
    %get3A_292 = arith.constant 0 : index
    %get3A_293 = vector.load %arg1[%get3A_290, %get3A_291, %get3A_292] : memref<13x512x128xf32, #tpu.memory_space<vmem>>, vector<1x512x128xf32>
    %get3A_294 = vector.shape_cast %get3A_293 : vector<1x512x128xf32> to vector<512x128xf32>
    %get3A_295 = arith.constant 12 : index
    %get3A_296 = arith.constant 0 : index
    %get3A_297 = arith.constant 0 : index
    %get3A_298 = vector.load %arg3[%get3A_295, %get3A_296, %get3A_297] : memref<13x128x512xf32, #tpu.memory_space<vmem>>, vector<1x128x512xf32>
    %get3A_299 = vector.shape_cast %get3A_298 : vector<1x128x512xf32> to vector<128x512xf32>
    %dot_general3A_300 = arith.constant dense<0.000000e+00> : vector<512x512xf32>
    %dot_general3A_301 = tpu.matmul %get3A_294, %get3A_299, %dot_general3A_300 {dimension_numbers = #tpu.dot_dimension_numbers<[1], [0], [0], [1], [0, 0, 1, 1], [], []>, transpose_lhs_hint = false} : vector<512x128xf32>, vector<128x512xf32>, vector<512x512xf32> -> vector<512x512xf32>
    %add3A_302 = arith.addf %add3A_278, %dot_general3A_301 : vector<512x512xf32>
    %get3A_303 = arith.constant 0 : index
    %get3A_304 = arith.constant 0 : index
    %get3A_305 = vector.load %arg5[%get3A_303, %get3A_304] : memref<128x64xf32, #tpu.memory_space<vmem>>, vector<128x64xf32>
    %dot_general3A_306 = arith.constant dense<0.000000e+00> : vector<512x64xf32>
    %dot_general3A_307 = tpu.matmul %get3A_294, %get3A_305, %dot_general3A_306 {dimension_numbers = #tpu.dot_dimension_numbers<[1], [0], [0], [1], [0, 0, 1, 1], [], []>, transpose_lhs_hint = false} : vector<512x128xf32>, vector<128x64xf32>, vector<512x64xf32> -> vector<512x64xf32>
    %add3A_308 = arith.addf %add3A_284, %dot_general3A_307 : vector<512x64xf32>
    %mul3A_309 = arith.mulf %get3A_294, %get3A_294 : vector<512x128xf32>
    %reduce_sum3A_310 = arith.constant dense<0.000000e+00> : vector<512xf32>
    %reduce_sum3A_311 = vector.multi_reduction <add>, %mul3A_309, %reduce_sum3A_310 [1] : vector<512x128xf32> to vector<512xf32>
    %broadcast_in_dim3A_312 = vector.shape_cast %reduce_sum3A_311 : vector<512xf32> to vector<512x1xf32>
    %add3A_313 = arith.addf %add3A_289, %broadcast_in_dim3A_312 : vector<512x1xf32>
    %swap3A = arith.constant 0 : index
    %swap3A_314 = arith.constant 0 : index
    %swap3A_315 = vector.load %arg6[%swap3A, %swap3A_314] : memref<512x512xf32, #tpu.memory_space<vmem>>, vector<512x512xf32>
    tpu.vector_store %arg6[%swap3A, %swap3A_314], %add3A_302 {strides = array<i32>} : memref<512x512xf32, #tpu.memory_space<vmem>>, vector<512x512xf32>,
    %get3A_316 = arith.constant 0 : index
    %get3A_317 = arith.constant 0 : index
    %get3A_318 = vector.load %arg2[%get3A_316, %get3A_317] : memref<512x26xf32, #tpu.memory_space<vmem>>, vector<512x26xf32>
    %reduce_sum3A_319 = arith.constant dense<0.000000e+00> : vector<512xf32>
    %reduce_sum3A_320 = vector.multi_reduction <add>, %get3A_318, %reduce_sum3A_319 [1] : vector<512x26xf32> to vector<512xf32>
    %broadcast_in_dim3A_321 = vector.shape_cast %reduce_sum3A_320 : vector<512xf32> to vector<512x1xf32>
    %mul3A_322 = arith.mulf %add3A_308, %add3A_308 : vector<512x64xf32>
    %reduce_sum3A_323 = arith.constant dense<0.000000e+00> : vector<512xf32>
    %reduce_sum3A_324 = vector.multi_reduction <add>, %mul3A_322, %reduce_sum3A_323 [1] : vector<512x64xf32> to vector<512xf32>
    %broadcast_in_dim3A_325 = vector.shape_cast %reduce_sum3A_324 : vector<512xf32> to vector<512x1xf32>
    %sub3A = arith.subf %broadcast_in_dim3A_325, %add3A_313 : vector<512x1xf32>
    %mul3A_326 = arith.constant 5.000000e-01 : f32
    %mul3A_327 = vector.broadcast %mul3A_326 : f32 to vector<512x1xf32>
    %mul3A_328 = arith.mulf %mul3A_327, %sub3A : vector<512x1xf32>
    %add3A_329 = arith.addf %broadcast_in_dim3A_321, %mul3A_328 : vector<512x1xf32>
    %swap3A_330 = arith.constant 0 : index
    %swap3A_331 = arith.constant 0 : index
    %swap3A_332 = vector.load %arg7[%swap3A_330, %swap3A_331] : memref<512x1xf32, #tpu.memory_space<vmem>>, vector<512x1xf32>
    tpu.vector_store %arg7[%swap3A_330, %swap3A_331], %add3A_329 {strides = array<i32>} : memref<512x1xf32, #tpu.memory_space<vmem>>, vector<512x1xf32>,
    return
  }
  func.func @transform_0(%arg0: i32) -> (i32, i32, i32) {
    %c0_i32 = arith.constant 0 : i32
    %c0_i32_0 = arith.constant 0 : i32
    %c0_i32_1 = arith.constant 0 : i32
    return %c0_i32, %arg0, %c0_i32_0 : i32, i32, i32
  }
  func.func @transform_1(%arg0: i32) -> (i32, i32) {
    %c0_i32 = arith.constant 0 : i32
    %c0_i32_0 = arith.constant 0 : i32
    return %arg0, %c0_i32 : i32, i32
  }
  func.func @transform_2(%arg0: i32) -> (i32, i32, i32) {
    %c0_i32 = arith.constant 0 : i32
    %c0_i32_0 = arith.constant 0 : i32
    %c0_i32_1 = arith.constant 0 : i32
    %c0_i32_2 = arith.constant 0 : i32
    return %c0_i32, %c0_i32_0, %c0_i32_1 : i32, i32, i32
  }
  func.func @transform_3(%arg0: i32) -> (i32, i32) {
    %c0_i32 = arith.constant 0 : i32
    %c0_i32_0 = arith.constant 0 : i32
    %c0_i32_1 = arith.constant 0 : i32
    return %c0_i32, %c0_i32_0 : i32, i32
  }
  func.func @transform_4(%arg0: i32) -> (i32, i32) {
    %c0_i32 = arith.constant 0 : i32
    %c0_i32_0 = arith.constant 0 : i32
    %c0_i32_1 = arith.constant 0 : i32
    return %c0_i32, %c0_i32_0 : i32, i32
  }
  func.func @transform_5(%arg0: i32) -> (i32, i32) {
    %c0_i32 = arith.constant 0 : i32
    %c0_i32_0 = arith.constant 0 : i32
    return %arg0, %c0_i32 : i32, i32
  }
  func.func @transform_6(%arg0: i32) -> (i32, i32) {
    %c0_i32 = arith.constant 0 : i32
    %c0_i32_0 = arith.constant 0 : i32
    return %arg0, %c0_i32 : i32, i32
  }
}

module attributes {stable_mosaic.version = 14 : i64} {
  func.func @_head_body(%arg0: memref<4096x512xf32, #tpu.memory_space<vmem>>, %arg1: memref<4096x1xf32, #tpu.memory_space<vmem>>, %arg2: memref<512x256xf32, #tpu.memory_space<vmem>>, %arg3: memref<1x256xf32, #tpu.memory_space<vmem>>, %arg4: memref<256x128xf32, #tpu.memory_space<vmem>>, %arg5: memref<1x128xf32, #tpu.memory_space<vmem>>, %arg6: memref<128x1xf32, #tpu.memory_space<vmem>>, %arg7: memref<1x1xf32, #tpu.memory_space<vmem>>, %arg8: memref<1x512xf32, #tpu.memory_space<vmem>>, %arg9: memref<1x512xf32, #tpu.memory_space<vmem>>, %arg10: memref<1x256xf32, #tpu.memory_space<vmem>>, %arg11: memref<1x256xf32, #tpu.memory_space<vmem>>, %arg12: memref<1x128xf32, #tpu.memory_space<vmem>>, %arg13: memref<1x128xf32, #tpu.memory_space<vmem>>, %arg14: memref<4096x1xf32, #tpu.memory_space<vmem>>) attributes {dimension_semantics = [], scalar_prefetch = 0 : i64, scratch_operands = 0 : i64, tpu.core_type = #tpu.core_type<tc>} {
    %get3A = arith.constant 0 : index
    %get3A_0 = arith.constant 0 : index
    %get3A_1 = vector.load %arg0[%get3A, %get3A_0] : memref<4096x512xf32, #tpu.memory_space<vmem>>, vector<4096x512xf32>
    %get3A_2 = arith.constant 0 : index
    %get3A_3 = arith.constant 0 : index
    %get3A_4 = vector.load %arg8[%get3A_2, %get3A_3] : memref<1x512xf32, #tpu.memory_space<vmem>>, vector<1x512xf32>
    %get3A_5 = arith.constant 0 : index
    %get3A_6 = arith.constant 0 : index
    %get3A_7 = vector.load %arg9[%get3A_5, %get3A_6] : memref<1x512xf32, #tpu.memory_space<vmem>>, vector<1x512xf32>
    %reduce_sum3A = arith.constant dense<0.000000e+00> : vector<512xf32>
    %reduce_sum3A_8 = vector.multi_reduction <add>, %get3A_1, %reduce_sum3A [0] : vector<4096x512xf32> to vector<512xf32>
    %broadcast_in_dim3A = vector.shape_cast %reduce_sum3A_8 : vector<512xf32> to vector<1x512xf32>
    %div3A = arith.constant 4.096000e+03 : f32
    %div3A_9 = vector.broadcast %div3A : f32 to vector<1x512xf32>
    %div3A_10 = arith.divf %broadcast_in_dim3A, %div3A_9 : vector<1x512xf32>
    %sub3A = vector.broadcast %div3A_10 : vector<1x512xf32> to vector<4096x512xf32>
    %sub3A_11 = arith.subf %get3A_1, %sub3A : vector<4096x512xf32>
    %integer_pow3A = arith.mulf %sub3A_11, %sub3A_11 : vector<4096x512xf32>
    %reduce_sum3A_12 = arith.constant dense<0.000000e+00> : vector<512xf32>
    %reduce_sum3A_13 = vector.multi_reduction <add>, %integer_pow3A, %reduce_sum3A_12 [0] : vector<4096x512xf32> to vector<512xf32>
    %broadcast_in_dim3A_14 = vector.shape_cast %reduce_sum3A_13 : vector<512xf32> to vector<1x512xf32>
    %div3A_15 = arith.constant 4.096000e+03 : f32
    %div3A_16 = vector.broadcast %div3A_15 : f32 to vector<1x512xf32>
    %div3A_17 = arith.divf %broadcast_in_dim3A_14, %div3A_16 : vector<1x512xf32>
    %sub3A_18 = vector.broadcast %div3A_10 : vector<1x512xf32> to vector<4096x512xf32>
    %sub3A_19 = arith.subf %get3A_1, %sub3A_18 : vector<4096x512xf32>
    %add3A = arith.constant 9.99999974E-6 : f32
    %add3A_20 = vector.broadcast %add3A : f32 to vector<1x512xf32>
    %add3A_21 = arith.addf %div3A_17, %add3A_20 : vector<1x512xf32>
    %rsqrt3A = math.rsqrt %add3A_21 : vector<1x512xf32>
    %mul3A = vector.broadcast %rsqrt3A : vector<1x512xf32> to vector<4096x512xf32>
    %mul3A_22 = arith.mulf %sub3A_19, %mul3A : vector<4096x512xf32>
    %mul3A_23 = vector.broadcast %get3A_4 : vector<1x512xf32> to vector<4096x512xf32>
    %mul3A_24 = arith.mulf %mul3A_22, %mul3A_23 : vector<4096x512xf32>
    %add3A_25 = vector.broadcast %get3A_7 : vector<1x512xf32> to vector<4096x512xf32>
    %add3A_26 = arith.addf %mul3A_24, %add3A_25 : vector<4096x512xf32>
    %max3A = arith.constant 0.000000e+00 : f32
    %max3A_27 = vector.broadcast %max3A : f32 to vector<4096x512xf32>
    %max3A_28 = arith.maximumf %add3A_26, %max3A_27 : vector<4096x512xf32>
    %get3A_29 = arith.constant 0 : index
    %get3A_30 = arith.constant 0 : index
    %get3A_31 = vector.load %arg2[%get3A_29, %get3A_30] : memref<512x256xf32, #tpu.memory_space<vmem>>, vector<512x256xf32>
    %dot_general3A = arith.constant dense<0.000000e+00> : vector<4096x256xf32>
    %dot_general3A_32 = tpu.matmul %max3A_28, %get3A_31, %dot_general3A {dimension_numbers = #tpu.dot_dimension_numbers<[1], [0], [0], [1], [0, 0, 1, 1], [], []>, transpose_lhs_hint = false} : vector<4096x512xf32>, vector<512x256xf32>, vector<4096x256xf32> -> vector<4096x256xf32>
    %get3A_33 = arith.constant 0 : index
    %get3A_34 = arith.constant 0 : index
    %get3A_35 = vector.load %arg3[%get3A_33, %get3A_34] : memref<1x256xf32, #tpu.memory_space<vmem>>, vector<1x256xf32>
    %add3A_36 = vector.broadcast %get3A_35 : vector<1x256xf32> to vector<4096x256xf32>
    %add3A_37 = arith.addf %dot_general3A_32, %add3A_36 : vector<4096x256xf32>
    %get3A_38 = arith.constant 0 : index
    %get3A_39 = arith.constant 0 : index
    %get3A_40 = vector.load %arg10[%get3A_38, %get3A_39] : memref<1x256xf32, #tpu.memory_space<vmem>>, vector<1x256xf32>
    %get3A_41 = arith.constant 0 : index
    %get3A_42 = arith.constant 0 : index
    %get3A_43 = vector.load %arg11[%get3A_41, %get3A_42] : memref<1x256xf32, #tpu.memory_space<vmem>>, vector<1x256xf32>
    %reduce_sum3A_44 = arith.constant dense<0.000000e+00> : vector<256xf32>
    %reduce_sum3A_45 = vector.multi_reduction <add>, %add3A_37, %reduce_sum3A_44 [0] : vector<4096x256xf32> to vector<256xf32>
    %broadcast_in_dim3A_46 = vector.shape_cast %reduce_sum3A_45 : vector<256xf32> to vector<1x256xf32>
    %div3A_47 = arith.constant 4.096000e+03 : f32
    %div3A_48 = vector.broadcast %div3A_47 : f32 to vector<1x256xf32>
    %div3A_49 = arith.divf %broadcast_in_dim3A_46, %div3A_48 : vector<1x256xf32>
    %sub3A_50 = vector.broadcast %div3A_49 : vector<1x256xf32> to vector<4096x256xf32>
    %sub3A_51 = arith.subf %add3A_37, %sub3A_50 : vector<4096x256xf32>
    %integer_pow3A_52 = arith.mulf %sub3A_51, %sub3A_51 : vector<4096x256xf32>
    %reduce_sum3A_53 = arith.constant dense<0.000000e+00> : vector<256xf32>
    %reduce_sum3A_54 = vector.multi_reduction <add>, %integer_pow3A_52, %reduce_sum3A_53 [0] : vector<4096x256xf32> to vector<256xf32>
    %broadcast_in_dim3A_55 = vector.shape_cast %reduce_sum3A_54 : vector<256xf32> to vector<1x256xf32>
    %div3A_56 = arith.constant 4.096000e+03 : f32
    %div3A_57 = vector.broadcast %div3A_56 : f32 to vector<1x256xf32>
    %div3A_58 = arith.divf %broadcast_in_dim3A_55, %div3A_57 : vector<1x256xf32>
    %sub3A_59 = vector.broadcast %div3A_49 : vector<1x256xf32> to vector<4096x256xf32>
    %sub3A_60 = arith.subf %add3A_37, %sub3A_59 : vector<4096x256xf32>
    %add3A_61 = arith.constant 9.99999974E-6 : f32
    %add3A_62 = vector.broadcast %add3A_61 : f32 to vector<1x256xf32>
    %add3A_63 = arith.addf %div3A_58, %add3A_62 : vector<1x256xf32>
    %rsqrt3A_64 = math.rsqrt %add3A_63 : vector<1x256xf32>
    %mul3A_65 = vector.broadcast %rsqrt3A_64 : vector<1x256xf32> to vector<4096x256xf32>
    %mul3A_66 = arith.mulf %sub3A_60, %mul3A_65 : vector<4096x256xf32>
    %mul3A_67 = vector.broadcast %get3A_40 : vector<1x256xf32> to vector<4096x256xf32>
    %mul3A_68 = arith.mulf %mul3A_66, %mul3A_67 : vector<4096x256xf32>
    %add3A_69 = vector.broadcast %get3A_43 : vector<1x256xf32> to vector<4096x256xf32>
    %add3A_70 = arith.addf %mul3A_68, %add3A_69 : vector<4096x256xf32>
    %max3A_71 = arith.constant 0.000000e+00 : f32
    %max3A_72 = vector.broadcast %max3A_71 : f32 to vector<4096x256xf32>
    %max3A_73 = arith.maximumf %add3A_70, %max3A_72 : vector<4096x256xf32>
    %get3A_74 = arith.constant 0 : index
    %get3A_75 = arith.constant 0 : index
    %get3A_76 = vector.load %arg4[%get3A_74, %get3A_75] : memref<256x128xf32, #tpu.memory_space<vmem>>, vector<256x128xf32>
    %dot_general3A_77 = arith.constant dense<0.000000e+00> : vector<4096x128xf32>
    %dot_general3A_78 = tpu.matmul %max3A_73, %get3A_76, %dot_general3A_77 {dimension_numbers = #tpu.dot_dimension_numbers<[1], [0], [0], [1], [0, 0, 1, 1], [], []>, transpose_lhs_hint = false} : vector<4096x256xf32>, vector<256x128xf32>, vector<4096x128xf32> -> vector<4096x128xf32>
    %get3A_79 = arith.constant 0 : index
    %get3A_80 = arith.constant 0 : index
    %get3A_81 = vector.load %arg5[%get3A_79, %get3A_80] : memref<1x128xf32, #tpu.memory_space<vmem>>, vector<1x128xf32>
    %add3A_82 = vector.broadcast %get3A_81 : vector<1x128xf32> to vector<4096x128xf32>
    %add3A_83 = arith.addf %dot_general3A_78, %add3A_82 : vector<4096x128xf32>
    %get3A_84 = arith.constant 0 : index
    %get3A_85 = arith.constant 0 : index
    %get3A_86 = vector.load %arg12[%get3A_84, %get3A_85] : memref<1x128xf32, #tpu.memory_space<vmem>>, vector<1x128xf32>
    %get3A_87 = arith.constant 0 : index
    %get3A_88 = arith.constant 0 : index
    %get3A_89 = vector.load %arg13[%get3A_87, %get3A_88] : memref<1x128xf32, #tpu.memory_space<vmem>>, vector<1x128xf32>
    %reduce_sum3A_90 = arith.constant dense<0.000000e+00> : vector<128xf32>
    %reduce_sum3A_91 = vector.multi_reduction <add>, %add3A_83, %reduce_sum3A_90 [0] : vector<4096x128xf32> to vector<128xf32>
    %broadcast_in_dim3A_92 = vector.shape_cast %reduce_sum3A_91 : vector<128xf32> to vector<1x128xf32>
    %div3A_93 = arith.constant 4.096000e+03 : f32
    %div3A_94 = vector.broadcast %div3A_93 : f32 to vector<1x128xf32>
    %div3A_95 = arith.divf %broadcast_in_dim3A_92, %div3A_94 : vector<1x128xf32>
    %sub3A_96 = vector.broadcast %div3A_95 : vector<1x128xf32> to vector<4096x128xf32>
    %sub3A_97 = arith.subf %add3A_83, %sub3A_96 : vector<4096x128xf32>
    %integer_pow3A_98 = arith.mulf %sub3A_97, %sub3A_97 : vector<4096x128xf32>
    %reduce_sum3A_99 = arith.constant dense<0.000000e+00> : vector<128xf32>
    %reduce_sum3A_100 = vector.multi_reduction <add>, %integer_pow3A_98, %reduce_sum3A_99 [0] : vector<4096x128xf32> to vector<128xf32>
    %broadcast_in_dim3A_101 = vector.shape_cast %reduce_sum3A_100 : vector<128xf32> to vector<1x128xf32>
    %div3A_102 = arith.constant 4.096000e+03 : f32
    %div3A_103 = vector.broadcast %div3A_102 : f32 to vector<1x128xf32>
    %div3A_104 = arith.divf %broadcast_in_dim3A_101, %div3A_103 : vector<1x128xf32>
    %sub3A_105 = vector.broadcast %div3A_95 : vector<1x128xf32> to vector<4096x128xf32>
    %sub3A_106 = arith.subf %add3A_83, %sub3A_105 : vector<4096x128xf32>
    %add3A_107 = arith.constant 9.99999974E-6 : f32
    %add3A_108 = vector.broadcast %add3A_107 : f32 to vector<1x128xf32>
    %add3A_109 = arith.addf %div3A_104, %add3A_108 : vector<1x128xf32>
    %rsqrt3A_110 = math.rsqrt %add3A_109 : vector<1x128xf32>
    %mul3A_111 = vector.broadcast %rsqrt3A_110 : vector<1x128xf32> to vector<4096x128xf32>
    %mul3A_112 = arith.mulf %sub3A_106, %mul3A_111 : vector<4096x128xf32>
    %mul3A_113 = vector.broadcast %get3A_86 : vector<1x128xf32> to vector<4096x128xf32>
    %mul3A_114 = arith.mulf %mul3A_112, %mul3A_113 : vector<4096x128xf32>
    %add3A_115 = vector.broadcast %get3A_89 : vector<1x128xf32> to vector<4096x128xf32>
    %add3A_116 = arith.addf %mul3A_114, %add3A_115 : vector<4096x128xf32>
    %max3A_117 = arith.constant 0.000000e+00 : f32
    %max3A_118 = vector.broadcast %max3A_117 : f32 to vector<4096x128xf32>
    %max3A_119 = arith.maximumf %add3A_116, %max3A_118 : vector<4096x128xf32>
    %get3A_120 = arith.constant 0 : index
    %get3A_121 = arith.constant 0 : index
    %get3A_122 = vector.load %arg6[%get3A_120, %get3A_121] : memref<128x1xf32, #tpu.memory_space<vmem>>, vector<128x1xf32>
    %dot_general3A_123 = arith.constant dense<0.000000e+00> : vector<4096x1xf32>
    %dot_general3A_124 = tpu.matmul %max3A_119, %get3A_122, %dot_general3A_123 {dimension_numbers = #tpu.dot_dimension_numbers<[1], [0], [0], [1], [0, 0, 1, 1], [], []>, transpose_lhs_hint = false} : vector<4096x128xf32>, vector<128x1xf32>, vector<4096x1xf32> -> vector<4096x1xf32>
    %get3A_125 = arith.constant 0 : index
    %get3A_126 = arith.constant 0 : index
    %get3A_127 = vector.load %arg7[%get3A_125, %get3A_126] : memref<1x1xf32, #tpu.memory_space<vmem>>, vector<1x1xf32>
    %add3A_128 = vector.broadcast %get3A_127 : vector<1x1xf32> to vector<4096x1xf32>
    %add3A_129 = arith.addf %dot_general3A_124, %add3A_128 : vector<4096x1xf32>
    %get3A_130 = arith.constant 0 : index
    %get3A_131 = arith.constant 0 : index
    %get3A_132 = vector.load %arg1[%get3A_130, %get3A_131] : memref<4096x1xf32, #tpu.memory_space<vmem>>, vector<4096x1xf32>
    %add3A_133 = arith.addf %get3A_132, %add3A_129 : vector<4096x1xf32>
    %logistic3A = arith.negf %add3A_133 : vector<4096x1xf32>
    %logistic3A_134 = math.exp %logistic3A : vector<4096x1xf32>
    %logistic3A_135 = arith.constant 1.000000e+00 : f32
    %logistic3A_136 = vector.broadcast %logistic3A_135 : f32 to vector<4096x1xf32>
    %logistic3A_137 = arith.addf %logistic3A_136, %logistic3A_134 : vector<4096x1xf32>
    %logistic3A_138 = arith.divf %logistic3A_136, %logistic3A_137 : vector<4096x1xf32>
    %swap3A = arith.constant 0 : index
    %swap3A_139 = arith.constant 0 : index
    %swap3A_140 = vector.load %arg14[%swap3A, %swap3A_139] : memref<4096x1xf32, #tpu.memory_space<vmem>>, vector<4096x1xf32>
    tpu.vector_store %arg14[%swap3A, %swap3A_139], %logistic3A_138 {strides = array<i32>} : memref<4096x1xf32, #tpu.memory_space<vmem>>, vector<4096x1xf32>,
    return
  }
}

</mosaic_0001>

<sc_bundles>
// kernel: kernel.5.cloned.1.call-start
scs
__scs_entry_jumppad:
0x0: {  	(pc) =	sbr.rel $0x88, $3  }
0x1: {  	(tag) =	ssettag $0x0;
	lr =	simm.s32 $0x1  }
0x2: {  	[smem:$0x3F90] =	sst lr;
	_ =	strace $0xD0000000  }
0x3: {  	_ = 	snop  }
0x4: {  	_ = 	snop  }
0x5: {  	_ = 	snop  }
0x6: {  	_ = 	snop  }
0x7: {  	_ = 	snop  }
__scs_overlays_trampoline_lowered:
0x8: {  	[smem:$0x3F9F] =	sst s0  }
0x9: {  	[smem:$0x3FA0] =	sst s1  }
0xa: {  	[smem:$0x3FA1] =	sst s2  }
0xb: {  	[smem:$0x3FA2] =	sst s3  }
0xc: {  	[smem:$0x3FA3] =	sst s4  }
0xd: {  	[smem:$0x3FA4] =	sst s5  }
0xe: {  	[smem:$0x3FA5] =	sst s6  }
0xf: {  	[smem:$0x3FA6] =	sst s7  }
0x10: {  	[smem:$0x3FA7] =	sst s8  }
0x11: {  	[smem:$0x3FA8] =	sst s9;
	s0 =	simm.s32 @!p0 $0x0  }
0x12: {  	s1 =	sld [smem:$0x3F8E];
	s0 =	simm.s32 @p0 $0x1  }
0x13: {  	[smem:$0x3FA9] =	sst s0;
	s0 =	simm.s32 @!p1 $0x0  }
0x14: {  	s2 =	sld [smem:$0x3F8D];
	s0 =	simm.s32 @p1 $0x1  }
0x15: {  	[smem:$0x3FAA] =	sst s0;
	s0 =	simm.s32 @!p2 $0x0  }
0x16: {  	s3 =	sld [smem:$0x3FDB];
	s0 =	simm.s32 @p2 $0x1  }
0x17: {  	s4 =	simm.s32 $0x1BF5;
	[smem:$0x3FAC] =	sst s0  }
0x18: {  	s0 =	sld [smem:$0x3F8F];
	_ =	swait.ge [sflag:s4], $0x0  }
0x19: {  	s7 =	sld [smem:$0x3F90]  }
0x1a: {  	s8 =	sadd.s32 $0xFFFFE003, lr  }
0x1b: {  	s9 =	sadd.s32 $0xFFFFFEF7, lr;
	s5 =	simm.s32 $0xFFFFFFFF;
	p2 =	slt.u32 s8, $0xFFFFF086  }
0x1c: {  	p1 =	slt.u32 s9, $0xF7A;
	s5 =	simm.s32 @!p2 $0x0  }
0x1d: {  	s5 =	simm.s32 @p1 $0x1;
	p0 =	seq.s32 s7, s2  }
0x1e: {  	s7 =	smul.u32 @!p0 $0xF7A, s2;
	p2 =	seq.s32 @!p0 s5, $0x0  }
0x1f: {  	s9 =	smul.u32 $0xF7A, s1;
	s8 =	simm.s32 @!p0 $0x1BF5;
	p2 =	por !p2, p0  }
0x20: {  	[sflag:s8] =	ssyncset.s32 @!p0 $0xFFFFF086;
	s6 =	sadd.s32 @!p0 s3, s7;
	s7 =	simm.s32 @!p0 $0x108  }
0x21: {  	s3 =	sadd.s32 s3, s9;
	s6 =	sadd.s32 @!p0 $0x88, s6;
	s7 =	simm.s32 @p2 $0x1082  }
0x22: {  	[simem:s7], [sflag:s8] =	dma.local @!p0 [hbm:s6], $0xF7A  }
0x23: {  	s9 =	sor.u32 $0xD0000000, s2;
	s6 =	simm.s32 $0x108;
	_ =	swait.ge @!p0 [sflag:s8], $0x0  }
0x24: {  	s3 =	sadd.s32 $0x88, s3;
	s6 =	simm.s32 @!p1 $0x1082;
	[sflag:s4] =	ssyncset.s32 $0xFFFFF086  }
0x25: {  	[simem:s6], [sflag:s4] =	dma.local [hbm:s3], $0xF7A  }
0x26: {  	[smem:$0x3F90] =	sst s1;
	(tag) =	ssettag s2;
	_ =	strace s9  }
0x27: {  	s1 =	sld [smem:$0x3FA0]  }
0x28: {  	s2 =	sld [smem:$0x3FA1]  }
0x29: {  	s4 =	sld [smem:$0x3FA3]  }
0x2a: {  	p0 =	seq.s32 s5, $0x0;
	s5 =	sld [smem:$0x3FA4]  }
0x2b: {  	s6 =	sld [smem:$0x3FA5]  }
0x2c: {  	s7 =	sld [smem:$0x3FA6]  }
0x2d: {  	s3 =	simm.s32 $0x108;
	s8 =	sld [smem:$0x3FA7]  }
0x2e: {  	s3 =	simm.s32 @!p0 $0x1082;
	s9 =	sld [smem:$0x3FA8]  }
0x2f: {  	lr =	sadd.s32 s0, s3;
	s0 =	sld [smem:$0x3F9F]  }
0x30: {  	s3 =	sld [smem:$0x3FA2]  }
0x31: {  	[smem:$0x3FAB] =	sst s10  }
0x32: {  	s10 =	sld [smem:$0x3FA9];
	_ =	sdelay $0x3  }
0x33: {  	p0 =	seq.s32 s10, $0x1;
	s10 =	sld [smem:$0x3FAB];
	_ =	sdelay $0x3  }
0x34: {  	[smem:$0x3FAB] =	sst s10  }
0x35: {  	s10 =	sld [smem:$0x3FAA];
	_ =	sdelay $0x3  }
0x36: {  	p1 =	seq.s32 s10, $0x1;
	s10 =	sld [smem:$0x3FAB];
	_ =	sdelay $0x3  }
0x37: {  	[smem:$0x3FAB] =	sst s10  }
0x38: {  	s10 =	sld [smem:$0x3FAC]  }
0x39: {  	_ = 	snop;
	(pc) =	sbr.ind lr, $3  }
0x3a: {  	_ = 	snop  }
0x3b: {  	_ = 	snop  }
0x3c: {  	p2 =	seq.s32 s10, $0x1;
	s10 =	sld [smem:$0x3FAB]  }
0x3d: {  	_ =	shalt  }
0x3e: {  	_ =	shalt  }
0x3f: {  	_ =	shalt  }
0x40: {  	_ =	shalt  }
0x41: {  	_ =	shalt  }
0x42: {  	_ =	shalt  }
0x43: {  	_ =	shalt  }
0x44: {  	_ =	shalt  }
0x45: {  	_ =	shalt  }
0x46: {  	_ =	shalt  }
0x47: {  	_ =	shalt  }
0x48: {  	_ =	shalt  }
0x49: {  	_ =	shalt  }
0x4a: {  	_ =	shalt  }
0x4b: {  	_ =	shalt  }
0x4c: {  	_ =	shalt  }
0x4d: {  	_ =	shalt  }
0x4e: {  	_ =	shalt  }
0x4f: {  	_ =	shalt  }
0x50: {  	_ =	shalt  }
0x51: {  	_ =	shalt  }
0x52: {  	_ =	shalt  }
0x53: {  	_ =	shalt  }
0x54: {  	_ =	shalt  }
0x55: {  	_ =	shalt  }
0x56: {  	_ =	shalt  }
0x57: {  	_ =	shalt  }
0x58: {  	_ =	shalt  }
0x59: {  	_ =	shalt  }
0x5a: {  	_ =	shalt  }
0x5b: {  	_ =	shalt  }
0x5c: {  	_ =	shalt  }
0x5d: {  	_ =	shalt  }
0x5e: {  	_ =	shalt  }
0x5f: {  	_ =	shalt  }
0x60: {  	_ =	shalt  }
0x61: {  	_ =	shalt  }
0x62: {  	_ =	shalt  }
0x63: {  	_ =	shalt  }
0x64: {  	_ =	shalt  }
0x65: {  	_ =	shalt  }
0x66: {  	_ =	shalt  }
0x67: {  	_ =	shalt  }
0x68: {  	_ =	shalt  }
0x69: {  	_ =	shalt  }
0x6a: {  	_ =	shalt  }
0x6b: {  	_ =	shalt  }
0x6c: {  	_ =	shalt  }
0x6d: {  	_ =	shalt  }
0x6e: {  	_ =	shalt  }
0x6f: {  	_ =	shalt  }
0x70: {  	_ =	shalt  }
0x71: {  	_ =	shalt  }
0x72: {  	_ =	shalt  }
0x73: {  	_ =	shalt  }
0x74: {  	_ =	shalt  }
0x75: {  	_ =	shalt  }
0x76: {  	_ =	shalt  }
0x77: {  	_ =	shalt  }
0x78: {  	_ =	shalt  }
0x79: {  	_ =	shalt  }
0x7a: {  	_ =	shalt  }
0x7b: {  	_ =	shalt  }
0x7c: {  	_ =	shalt  }
0x7d: {  	_ =	shalt  }
0x7e: {  	_ =	shalt  }
0x7f: {  	_ =	shalt  }
0x80: {  	_ =	shalt  }
0x81: {  	_ =	shalt  }
0x82: {  	_ =	shalt  }
0x83: {  	_ =	shalt  }
0x84: {  	_ =	shalt  }
0x85: {  	_ =	shalt  }
0x86: {  	_ =	shalt  }
0x87: {  	_ =	shalt  }
.Lfunc_end0:
.L_simem_size_0:
called_computation_lowered:
.L_overlay_start_0:
0x88: {  	s2 =	sld [smem:$0x3FD9]  }
0x89: {  	s3 =	sld [smem:$0x3FFE];
	_ =	sdelay $0x1  }
0x8a: {  	s1 =	srdreg.scid  }
0x8b: {  	s0 =	sand.u32 $0x1, s1  }
0x8c: {  	s16 =	sshll.u32 s0, $0xA;
	s2 =	sadd.s32 s3, s2  }
0x8d: {  	s2 =	sadd.s32 s2, s16  }
0x8e: {  	[smem:$0x3FB7] =	sst s2  }
0x8f: {  	_ = 	snop  }
0x90: {  	(tm) =	ssettm $0x1  }
0x91: {  	s17 =	sld [smem:$0x3FFB];
	_ =	sdelay $0x3  }
0x92: {  	_ =	strace s17  }
0x93: {  	s2 =	sld [smem:$0x3FFC];
	_ =	sdelay $0x3  }
0x94: {  	_ =	strace s2  }
0x95: {  	s2 =	sld [smem:$0x3FFD];
	_ =	sdelay $0x3  }
0x96: {  	_ =	strace s2  }
0x97: {  	_ =	strace $0x8FFFFFFF  }
0x98: {  	s18 =	sld [smem:$0x3FDB];
	_ =	sdelay $0x1  }
0x99: {  	s19 =	simm.s32 $_scs_section_size  }
0x9a: {  	s4 =	simm.s32 $_size__tile_overlayer_lowered;
	s5 =	simm.s32 $_tile_overlayer_lowered  }
0x9b: {  	s22 =	simm.s32 $0x1BFF;
	s21 =	sshll.u32 s5, $0x1;
	s2 =	sadd.s32 s19, s18  }
0x9c: {  	s6 =	simm.s32 $0x0;
	s20 =	sshll.u32 s4, $0x1;
	s4 =	sadd.s32 s21, s2  }
0x9d: {  	[timem:s6], [sflag:s22] =	dma.local [hbm:s4], s20  }
0x9e: {  	_ =	swait.ge [sflag:s22], s20  }
0x9f: {  	s3 =	ssub.s32 $0x0, s20;
	[sflag:s22] =	ssyncset.done $0x0  }
0xa0: {  	[sflag:s22] =	ssyncadd.s32 s3;
	_ =	sdelay $0x1  }
0xa1: {  	s23 =	simm.s32 $0x1B8B  }
0xa2: {  	_ =	swait.ge [sflag:s23], $0x1  }
0xa3: {  	[sflag:s23] =	ssyncset.done $0x0  }
0xa4: {  	s25 =	simm.s32 $0x1B8E;
	s24 =	sld [smem:$0x3FFE];
	[sflag:s23] =	ssyncadd.s32 $0xFFFFFFFF  }
0xa5: {  	s26 =	simm.s32 $execute0_lowered;
	[smem:$0x3FD2] =	sst s25  }
0xa6: {  	s4 =	sshll.u32 s26, $0x1;
	_ =	strace $0x80000046;
	[dreg:$0x1] =	wrdreg $0xFFFFFFFF  }
0xa7: {  	s28 =	simm.s32 $_size_execute0_lowered;
	s2 =	sadd.s32 s2, s4;
	[dreg:$0x0] =	wrdreg $0x0  }
0xa8: {  	s4 =	sshll.u32 s28, $0x1;
	[dreg:$0x2] =	wrdreg s2  }
0xa9: {  	[dreg:$0x3] =	wrdreg s4  }
0xaa: {  	[dreg:$0x4] =	wrdreg $0xC0  }
0xab: {  	_ =	task [dreg:s6], $0x5FFFF  }
0xac: {  	[dreg:$0x1] =	wrdreg $0xFFFFFFFF  }
0xad: {  	[dreg:$0x0] =	wrdreg $0x60  }
0xae: {  	[dreg:$0x2] =	wrdreg s24  }
0xaf: {  	[dreg:$0x3] =	wrdreg $0x9  }
0xb0: {  	_ =	task.clear_ibuf [dreg:s6], $0x4FFFF;
	_ =	strace $0x90000046  }
0xb1: {  	s29 =	simm.s32 $0x9;
	_ =	strace $0x80000048  }
0xb2: {  	_ =	swait.ge [sflag:s29], $0x1  }
0xb3: {  	[sflag:s29] =	ssyncadd.s32 $0xFFFFFFFF  }
0xb4: {  	_ =	strace $0x90000048  }
0xb5: {  	_ =	sfence  }
0xb6: {  	s30 =	sld [smem:$0x0];
	_ =	sdelay $0x2  }
0xb7: {  	s31 =	sshll.u32 s1, $0xD;
	s1 =	sshrl.u32 s1, $0x2  }
0xb8: {  	s3 =	sand.u32 $0x4000, s31;
	s1 =	sadd.s32 s1, s30  }
0xb9: {  	s0 =	sor.u32 s3, s0;
	s1 =	sshll.u32 s1, $0x11  }
0xba: {  	s0 =	sor.u32 s1, s0  }
0xbb: {  	s0 =	sadd.s32 $0x8F2B, s0  }
0xbc: {  	[sflag:s0] =	ssyncadd.remote.s32 $0x1  }
0xbd: {  	_ =	sfence.sel $0xFFFF  }
0xbe: {  	[dreg:$0x0] =	wrdreg $0xFFFFFFFF;
	(pc) =	sbr.abs _section_cstart, $3  }
0xbf: {  	[dreg:$0x1] =	wrdreg $0xFFFFFFFF  }
0xc0: {  	_ =	task.clear_ibuf [dreg:s6], $0x2FFFF;
	_ =	strace $0x9FFFFFFF  }
0xc1: {  	(tm) =	ssettm $0x7FFFFFFF  }
tec
execute0_lowered:
.L_overlay_start_1:
0x0: {  	(tag) =	ssettag $0x1  }
0x1: {  	s1 =	srdreg.scid;
	s0 =	stileid.u32  }
0x2: {  	s23 =	sand.u32 $0x1, s1;
	s31 =	sshll.u32 s0, $0x1  }
0x3: {  	s16 =	sor.u32 s23, s31  }
0x4: {  	s17 =	rddreg [dreg:$0x0];
	s3 =	smul.u32 $0xD0, s16  }
0x5: {  	s2 =	simm.s32 $0x0;
	s1 =	rddreg [dreg:$0x1]  }
0x6: {  	[smem:$0x7FF] =	sst s2;
	s5 =	sadd.s32 s3, s17  }
0x7: {  	_ =	strace $0x80000047;
	s3 =	simm.s32 $0x3;
	s4 =	sadd.s32 $0x7400, s5  }
0x8: {  	[tilespmem:s2], [sflag:$0x3] =	stream.linear.gather [hbm4b:s4+s2], $0x680, $0x38;
	[tilespmem:$0x1C700] =	vst v63  }
0x9: {  	_ =	swait.ge [sflag:s3], $0x680  }
0xa: {  	s6 =	simm.s32 $0x680;
	[sflag:s3] =	ssyncset.done $0x0  }
0xb: {  	s7 =	smul.u32 $0x1A0, s16;
	s5 =	sadd.s32 $0x5A00, s5;
	[sflag:s3] =	ssyncadd.s32 $0xFFFFF980  }
0xc: {  	[tilespmem:s6], [sflag:$0x3] =	stream.linear.gather [hbm4b:s5+s2], $0x680, $0x38;
	[tilespmem:$0x1C700] =	vst v63  }
0xd: {  	_ =	swait.ge [sflag:s3], $0x680  }
0xe: {  	s24 =	sadd.s32 s7, s17;
	[sflag:s3] =	ssyncset.done $0x0  }
0xf: {  	s8 =	simm.s32 $0x1AD00;
	s7 =	sadd.s32 $0x2600, s24;
	[sflag:s3] =	ssyncadd.s32 $0xFFFFF980  }
0x10: {  	[tilespmem:s8], [sflag:$0x3] =	stream.linear.gather [hbm4b:s7+s2], $0xD00, $0x38;
	[tilespmem:$0x1C700] =	vst v63  }
0x11: {  	_ =	swait.ge [sflag:s3], $0xD00  }
0x12: {  	s10 =	simm.s32 $0xD00;
	[sflag:s3] =	ssyncset.done $0x0  }
0x13: {  	s11 =	simm.s32 $0x1BA00;
	s9 =	sadd.s32 $0x8E00, s17;
	[sflag:s3] =	ssyncadd.s32 $0xFFFFF300  }
0x14: {  	[tilespmem:s11], [sflag:$0x2] =	stream.indirect.gather [hbm4b:s9+s10], $0x1, s8, s10, $0xb8;
	[tilespmem:$0x1C700] =	vst v63  }
0x15: {  	s13 =	simm.s32 $0x340;
	s12 =	sadd.s32 $0xF58A00, s17  }
0x16: {  	[tilespmem:s10], [sflag:$0x1] =	stream.indirect.gather [hbm4b:s12+s13], $0x40, s2, s13, $0xb8;
	[tilespmem:$0x1C700] =	vst v63  }
0x17: {  	s14 =	simm.s32 $0xDD00;
	s15 =	simm.s32 $0x1  }
0x18: {  	[tilespmem:s14], [sflag:$0x1] =	stream.indirect.gather [hbm4b:s12+s13], $0x40, s6, s13, $0xb8;
	[tilespmem:$0x1C700] =	vst v63  }
0x19: {  	_ =	swait.ge [sflag:s15], $0xD000  }
0x1a: {  	s16 =	smul.u32 $0x34000, s16;
	[sflag:s15] =	ssyncset.done $0x0  }
0x1b: {  	[sflag:s15] =	ssyncadd.s32 $0xFFFF3000  }
0x1c: {  	s16 =	sshrl.u32 s16, $0x3;
	_ =	swait.ge [sflag:s15], $0xD000  }
0x1d: {  	s18 =	simm.s32 $0x80;
	s22 =	sadd.s32 s16, s17;
	[sflag:s15] =	ssyncset.done $0x0  }
0x1e: {  	s17 =	simm.s32 $0x40;
	s16 =	sadd.s32 $0x2AC00, s22;
	[sflag:s15] =	ssyncadd.s32 $0xFFFF3000  }
0x1f: {  	[hbm4b:s16+s17] =	stream.strided.scatter [tilespmem:s10], [sflag:$0x3], $0xD000, s18, s17, $0x38;
	[tilespmem:$0x1C700] =	vst v63  }
0x20: {  	_ =	swait.ge [sflag:s3], $0xD000  }
0x21: {  	[sflag:s3] =	ssyncset.done $0x0  }
0x22: {  	s19 =	sadd.s32 $0x2AC08, s22;
	[sflag:s3] =	ssyncadd.s32 $0xFFFF3000  }
0x23: {  	[hbm4b:s19+s17] =	stream.strided.scatter [tilespmem:s14], [sflag:$0x3], $0xD000, s18, s17, $0x38;
	[tilespmem:$0x1C700] =	vst v63  }
0x24: {  	_ =	swait.ge [sflag:s3], $0xD000  }
0x25: {  	[sflag:s3] =	ssyncset.done $0x0  }
0x26: {  	[sflag:s3] =	ssyncadd.s32 $0xFFFF3000  }
0x27: {  	[tilespmem:s10], [sflag:$0x1] =	stream.indirect.gather [hbm4b:s12+s13], $0x40, s13, s13, $0xb8;
	[tilespmem:$0x1C700] =	vst v63  }
0x28: {  	s20 =	simm.s32 $0x9C0  }
0x29: {  	[tilespmem:s14], [sflag:$0x1] =	stream.indirect.gather [hbm4b:s12+s13], $0x40, s20, s13, $0xb8;
	[tilespmem:$0x1C700] =	vst v63  }
0x2a: {  	_ =	swait.ge [sflag:s15], $0xD000  }
0x2b: {  	[sflag:s15] =	ssyncset.done $0x0  }
0x2c: {  	[sflag:s15] =	ssyncadd.s32 $0xFFFF3000  }
0x2d: {  	_ =	swait.ge [sflag:s15], $0xD000  }
0x2e: {  	[sflag:s15] =	ssyncset.done $0x0  }
0x2f: {  	s21 =	sadd.s32 $0x2E000, s22;
	[sflag:s15] =	ssyncadd.s32 $0xFFFF3000  }
0x30: {  	[hbm4b:s21+s17] =	stream.strided.scatter [tilespmem:s10], [sflag:$0x3], $0xD000, s18, s17, $0x38;
	[tilespmem:$0x1C700] =	vst v63  }
0x31: {  	_ =	swait.ge [sflag:s3], $0xD000  }
0x32: {  	[sflag:s3] =	ssyncset.done $0x0  }
0x33: {  	s25 =	ssub.s32 $0x2, s23;
	s22 =	sadd.s32 $0x2E008, s22;
	[sflag:s3] =	ssyncadd.s32 $0xFFFF3000  }
0x34: {  	[hbm4b:s22+s17] =	stream.strided.scatter [tilespmem:s14], [sflag:$0x3], $0xD000, s18, s17, $0x38;
	[tilespmem:$0x1C700] =	vst v63  }
0x35: {  	s26 =	sshrl.u32 s25, $0x1;
	_ =	swait.ge [sflag:s3], $0xD000  }
0x36: {  	s25 =	ssub.s32 s25, s26;
	[sflag:s3] =	ssyncset.done $0x0  }
0x37: {  	s23 =	simm.s32 $0x2;
	s25 =	smax.u32 s25, $0x1;
	[sflag:s3] =	ssyncadd.s32 $0xFFFF3000  }
0x38: {  	p0 =	sne.s32 s25, $0x1;
	_ =	swait.ge [sflag:s23], $0xD00  }
.Ltmp0:
0x39: {  	[sflag:s23] =	ssyncset.done $0x0;
	(pc) =	sbr.rel @!p0 .LBB2_2-.Ltmp0, $4  }
0x3a: {  	s24 =	sadd.s32 $0x27800, s24;
	[sflag:s23] =	ssyncadd.s32 $0xFFFFF300  }
0x3b: {  	[hbm4b:s24+s2] =	stream.linear.scatter [tilespmem:s11], [sflag:$0x3], $0xD00, $0x38;
	[tilespmem:$0x1C700] =	vst v63  }
0x3c: {  	_ =	swait.ge [sflag:s3], $0xD00  }
0x3d: {  	s25 =	sadd.s32 $0xFFFFFFFF, s25;
	[sflag:s3] =	ssyncset.done $0x0  }
.LBB2_1:
0x3e: {  	p0 =	sne.s32 s25, $0x1;
	s25 =	sadd.s32 $0xFFFFFFFF, s25;
	[sflag:s3] =	ssyncadd.s32 $0xFFFFF300  }
0x3f: {  	[tilespmem:s2], [sflag:$0x3] =	stream.linear.gather [hbm4b:s4+s2], $0x680, $0x38;
	[tilespmem:$0x1C700] =	vst v63  }
0x40: {  	_ =	swait.ge [sflag:s3], $0x680  }
0x41: {  	[sflag:s3] =	ssyncset.done $0x0  }
0x42: {  	[sflag:s3] =	ssyncadd.s32 $0xFFFFF980  }
0x43: {  	[tilespmem:s6], [sflag:$0x3] =	stream.linear.gather [hbm4b:s5+s2], $0x680, $0x38;
	[tilespmem:$0x1C700] =	vst v63  }
0x44: {  	_ =	swait.ge [sflag:s3], $0x680  }
0x45: {  	[sflag:s3] =	ssyncset.done $0x0  }
0x46: {  	[sflag:s3] =	ssyncadd.s32 $0xFFFFF980  }
0x47: {  	[tilespmem:s8], [sflag:$0x3] =	stream.linear.gather [hbm4b:s7+s2], $0xD00, $0x38;
	[tilespmem:$0x1C700] =	vst v63  }
0x48: {  	_ =	swait.ge [sflag:s3], $0xD00  }
0x49: {  	[sflag:s3] =	ssyncset.done $0x0  }
0x4a: {  	[sflag:s3] =	ssyncadd.s32 $0xFFFFF300  }
0x4b: {  	[tilespmem:s11], [sflag:$0x2] =	stream.indirect.gather [hbm4b:s9+s10], $0x1, s8, s10, $0xb8;
	[tilespmem:$0x1C700] =	vst v63  }
0x4c: {  	_ = 	snop  }
0x4d: {  	[tilespmem:s10], [sflag:$0x1] =	stream.indirect.gather [hbm4b:s12+s13], $0x40, s2, s13, $0xb8;
	[tilespmem:$0x1C700] =	vst v63  }
0x4e: {  	_ = 	snop  }
0x4f: {  	[tilespmem:s14], [sflag:$0x1] =	stream.indirect.gather [hbm4b:s12+s13], $0x40, s6, s13, $0xb8;
	[tilespmem:$0x1C700] =	vst v63  }
0x50: {  	_ =	swait.ge [sflag:s15], $0xD000  }
0x51: {  	[sflag:s15] =	ssyncset.done $0x0  }
0x52: {  	[sflag:s15] =	ssyncadd.s32 $0xFFFF3000  }
0x53: {  	_ =	swait.ge [sflag:s15], $0xD000  }
0x54: {  	[sflag:s15] =	ssyncset.done $0x0  }
0x55: {  	[sflag:s15] =	ssyncadd.s32 $0xFFFF3000  }
0x56: {  	[hbm4b:s16+s17] =	stream.strided.scatter [tilespmem:s10], [sflag:$0x3], $0xD000, s18, s17, $0x38;
	[tilespmem:$0x1C700] =	vst v63  }
0x57: {  	_ =	swait.ge [sflag:s3], $0xD000  }
0x58: {  	[sflag:s3] =	ssyncset.done $0x0  }
0x59: {  	[sflag:s3] =	ssyncadd.s32 $0xFFFF3000  }
0x5a: {  	[hbm4b:s19+s17] =	stream.strided.scatter [tilespmem:s14], [sflag:$0x3], $0xD000, s18, s17, $0x38;
	[tilespmem:$0x1C700] =	vst v63  }
0x5b: {  	_ =	swait.ge [sflag:s3], $0xD000  }
0x5c: {  	[sflag:s3] =	ssyncset.done $0x0  }
0x5d: {  	[sflag:s3] =	ssyncadd.s32 $0xFFFF3000  }
0x5e: {  	[tilespmem:s10], [sflag:$0x1] =	stream.indirect.gather [hbm4b:s12+s13], $0x40, s13, s13, $0xb8;
	[tilespmem:$0x1C700] =	vst v63  }
0x5f: {  	_ = 	snop  }
0x60: {  	[tilespmem:s14], [sflag:$0x1] =	stream.indirect.gather [hbm4b:s12+s13], $0x40, s20, s13, $0xb8;
	[tilespmem:$0x1C700] =	vst v63  }
0x61: {  	_ =	swait.ge [sflag:s15], $0xD000  }
0x62: {  	[sflag:s15] =	ssyncset.done $0x0  }
0x63: {  	[sflag:s15] =	ssyncadd.s32 $0xFFFF3000  }
0x64: {  	_ =	swait.ge [sflag:s15], $0xD000  }
0x65: {  	[sflag:s15] =	ssyncset.done $0x0  }
0x66: {  	[sflag:s15] =	ssyncadd.s32 $0xFFFF3000  }
0x67: {  	[hbm4b:s21+s17] =	stream.strided.scatter [tilespmem:s10], [sflag:$0x3], $0xD000, s18, s17, $0x38;
	[tilespmem:$0x1C700] =	vst v63  }
0x68: {  	_ =	swait.ge [sflag:s3], $0xD000  }
0x69: {  	[sflag:s3] =	ssyncset.done $0x0  }
0x6a: {  	[sflag:s3] =	ssyncadd.s32 $0xFFFF3000  }
0x6b: {  	[hbm4b:s22+s17] =	stream.strided.scatter [tilespmem:s14], [sflag:$0x3], $0xD000, s18, s17, $0x38;
	[tilespmem:$0x1C700] =	vst v63  }
0x6c: {  	_ =	swait.ge [sflag:s3], $0xD000  }
0x6d: {  	[sflag:s3] =	ssyncset.done $0x0  }
0x6e: {  	[sflag:s3] =	ssyncadd.s32 $0xFFFF3000  }
0x6f: {  	_ =	swait.ge [sflag:s23], $0xD00  }
.Ltmp1:
0x70: {  	[sflag:s23] =	ssyncset.done $0x0;
	(pc) =	sbr.rel @p0 .LBB2_1-.Ltmp1, $4  }
0x71: {  	[sflag:s23] =	ssyncadd.s32 $0xFFFFF300  }
0x72: {  	[hbm4b:s24+s2] =	stream.linear.scatter [tilespmem:s11], [sflag:$0x3], $0xD00, $0x38;
	[tilespmem:$0x1C700] =	vst v63  }
0x73: {  	_ =	swait.ge [sflag:s3], $0xD00  }
0x74: {  	[sflag:s3] =	ssyncset.done $0x0  }
.LBB2_2:
0x75: {  	[sflag:s3] =	ssyncadd.s32 $0xFFFFF300  }
0x76: {  	_ =	sfence.sel $0x180000  }
0x77: {  	[bflag:$0x0] =	sbarrier.arrive $0xFFFF  }
0x78: {  	p0 =	sne.s32 s0, $0x0;
	_ =	strace $0x90000047  }
0x79: {  	s0 =	sadd.s32 @!p0 $0x100000, s1;
	[bflag:$0x2] =	sbarrier.arrive $0xFFFF  }
0x7a: {  	[sflag:s0] =	ssyncadd.tile.s32 @!p0 $0x1;
	_ =	shalt  }
.Lfunc_end2:
_tile_overlayer_lowered:
.L_overlay_start_2:
0x7b: {  	(tag) =	ssettag $0x2  }
0x7c: {  	s0 =	rddreg [dreg:$0x0];
	s2 =	stileid.u32  }
0x7d: {  	s1 =	rddreg [dreg:$0x1];
	p0 =	sne.s32 s2, $0x0  }
0x7e: {  	s3 =	rddreg [dreg:$0x2];
	[bflag:$0x3] =	sbarrier.arrive $0xFFFF;
	s2 =	simm.s32 @!p0 $0x1C03  }
0x7f: {  	[timem:s3], [sflag:s2] =	dma.local @!p0 [hbm:s0], s1  }
0x80: {  	s0 =	simm.s32 @!p0 $0x3  }
0x81: {  	_ =	swait.ge @!p0 [sflag:s0], s1  }
0x82: {  	s1 =	ssub.s32 @!p0 $0x0, s1;
	[sflag:s0] =	ssyncset.done @!p0 $0x0  }
0x83: {  	[sflag:s0] =	ssyncadd.s32 @!p0 s1  }
0x84: {  	[bflag:$0x3] =	sbarrier.arrive $0xFFFF  }
0x85: {  	_ =	shalt  }

</sc_bundles>
